<compile_context>
chip_gen: v7x
topology: tpu7x:2x2x1
jax: 0.10.2.dev20260603
libtpu: 0.0.44.dev20260713+nightly
codegen_flags: <defaults>
</compile_context>

<pallas_src>
import jax
import jax.numpy as jnp
from jax import lax
from jax.experimental import pallas as pl
from jax.experimental.pallas import tpu as pltpu
from jax.experimental.pallas import tpu_sc as plsc

N = 10000
E = 320000
D = 128
NUM_GATE = 29
ACT_H = 256
CRIT_H = 128
ADIM = 512

_BLK = 1000

_NC = 2
_NS = 16
_NW = _NC * _NS
_CH = 128
_CPW = 79
_EPAD = _NW * _CH * _CPW
_NROWS = 10240
_RPT = _NROWS // _NS
_NTPAD = 10112


def _worker_id():
    c = lax.axis_index("c")
    s = lax.axis_index("s")
    return c, s, c * _NS + s


def _zero_vmem_2d(ref, nrows, width):
    zeros16 = jnp.zeros((16,), jnp.float32)

    def row(i, _):
        for j in range(width // 16):
            ref[i, pl.ds(j * 16, 16)] = zeros16
        return 0

    lax.fori_loop(0, nrows, row, 0)


def _zero_spmem_slice(zb_ref, sh_ref, base, total):
    off = 0
    while off < total:
        n = min(128, total - off)
        pltpu.sync_copy(zb_ref.at[pl.ds(0, n)], sh_ref.at[pl.ds(base + off, n)])
        off += n


def _sc_counts_body(nt_hbm, ei_hbm, out_hbm, nt_v, src_v, dst_v, oh_v, idx_v,
                    zb_v, counts_sh, sem):
    c, s, w = _worker_id()
    lane = lax.broadcasted_iota(jnp.int32, (16,), 0)
    ones16 = jnp.full((16,), 1.0, jnp.float32)
    zeros16 = jnp.zeros((16,), jnp.float32)

    pltpu.sync_copy(nt_hbm, nt_v.at[pl.ds(0, N)])
    _zero_vmem_2d(oh_v, _CH, D)
    _zero_vmem_2d(zb_v, 128, D)
    _zero_spmem_slice(zb_v, counts_sh, s * _RPT, _RPT)
    plsc.subcore_barrier()

    def chunk(j, _):
        base = (w * _CPW + j) * _CH
        pltpu.sync_copy(ei_hbm.at[0, pl.ds(base, _CH)], src_v)
        pltpu.sync_copy(ei_hbm.at[1, pl.ds(base, _CH)], dst_v)
        for k in range(_CH // 16):
            s16 = src_v[pl.ds(k * 16, 16)]
            t16 = plsc.load_gather(nt_v, [s16])
            row16 = lane + (k * 16)
            plsc.store_scatter(oh_v, [row16, t16], ones16)
            idx_v[pl.ds(k * 16, 16)] = t16
        pltpu.sync_copy(oh_v, counts_sh.at[dst_v], add=True)
        for k in range(_CH // 16):
            t16 = idx_v[pl.ds(k * 16, 16)]
            row16 = lane + (k * 16)
            plsc.store_scatter(oh_v, [row16, t16], zeros16)
        return 0

    lax.fori_loop(0, _CPW, chunk, 0)
    plsc.subcore_barrier()
    row0 = s * _RPT
    pltpu.sync_copy(counts_sh.at[pl.ds(row0, _RPT)],
                    out_hbm.at[c, pl.ds(row0, _RPT)])


def _sc_counts(node_types, ei_pad):
    mesh = plsc.VectorSubcoreMesh(core_axis_name="c", subcore_axis_name="s")
    f = pl.kernel(
        _sc_counts_body,
        out_type=jax.ShapeDtypeStruct((_NC, _NROWS, D), jnp.float32),
        mesh=mesh,
        compiler_params=pltpu.CompilerParams(needs_layout_passes=False),
        scratch_types=[
            pltpu.VMEM((_NTPAD,), jnp.int32),
            pltpu.VMEM((_CH,), jnp.int32),
            pltpu.VMEM((_CH,), jnp.int32),
            pltpu.VMEM((_CH, D), jnp.float32),
            pltpu.VMEM((_CH,), jnp.int32),
            pltpu.VMEM((128, D), jnp.float32),
            pltpu.VMEM_SHARED((_NROWS, D), jnp.float32),
            pltpu.SemaphoreType.DMA,
        ],
    )
    return f(node_types, ei_pad)


def _sc_agg_body(x_hbm, ei_hbm, out_hbm, src_v, dst_v, rows_v, zb_v,
                 agg_sh, sem):
    c, s, w = _worker_id()
    _zero_vmem_2d(zb_v, 128, D)
    _zero_spmem_slice(zb_v, agg_sh, s * _RPT, _RPT)
    plsc.subcore_barrier()

    def chunk(j, _):
        base = (w * _CPW + j) * _CH
        pltpu.sync_copy(ei_hbm.at[0, pl.ds(base, _CH)], src_v)
        pltpu.sync_copy(ei_hbm.at[1, pl.ds(base, _CH)], dst_v)
        pltpu.async_copy(x_hbm.at[src_v], rows_v, sem).wait()
        pltpu.sync_copy(rows_v, agg_sh.at[dst_v], add=True)
        return 0

    lax.fori_loop(0, _CPW, chunk, 0)
    plsc.subcore_barrier()
    row0 = s * _RPT
    pltpu.sync_copy(agg_sh.at[pl.ds(row0, _RPT)],
                    out_hbm.at[c, pl.ds(row0, _RPT)])


def _sc_agg(x, ei_pad):
    mesh = plsc.VectorSubcoreMesh(core_axis_name="c", subcore_axis_name="s")
    f = pl.kernel(
        _sc_agg_body,
        out_type=jax.ShapeDtypeStruct((_NC, _NROWS, D), jnp.float32),
        mesh=mesh,
        compiler_params=pltpu.CompilerParams(needs_layout_passes=False),
        scratch_types=[
            pltpu.VMEM((_CH,), jnp.int32),
            pltpu.VMEM((_CH,), jnp.int32),
            pltpu.VMEM((_CH, D), jnp.float32),
            pltpu.VMEM((128, D), jnp.float32),
            pltpu.VMEM_SHARED((_NROWS, D), jnp.float32),
            pltpu.SemaphoreType.DMA,
        ],
    )
    return f(x, ei_pad)


def _layer0_body(nt_ref, c0_ref, c1_ref, tab_ref, wt_ref, wb_ref, b_ref,
                 o_ref, inv_ref):
    counts = c0_ref[...] + c1_ref[...]
    deg = jnp.maximum(jnp.sum(counts, axis=1), 1.0)
    inv = 1.0 / deg
    tab = tab_ref[...]
    types_row = nt_ref[0, ...]
    gates = lax.broadcasted_iota(jnp.int32, (D, _BLK), 0)
    onehot_t = (gates == types_row).astype(jnp.float32)
    x0 = lax.dot_general(onehot_t, tab, (((0,), (0,)), ((), ())),
                         preferred_element_type=jnp.float32)
    agg0 = jnp.dot(counts, tab, preferred_element_type=jnp.float32)
    agg0 = agg0 * inv[:, None]
    acc = jnp.dot(x0, wt_ref[...], preferred_element_type=jnp.float32)
    acc += jnp.dot(agg0, wb_ref[...], preferred_element_type=jnp.float32)
    o_ref[...] = jnp.maximum(acc + b_ref[...], 0.0)
    inv_ref[...] = inv[:, None]


def _layer0(node_types, counts, embed_table, W, b):
    wt, wb = W[:D], W[D:]
    tab = jnp.zeros((D, D), jnp.float32).at[:NUM_GATE].set(embed_table)
    nt3 = node_types.astype(jnp.int32).reshape(N // _BLK, 1, _BLK)
    return pl.pallas_call(
        _layer0_body,
        grid=(N // _BLK,),
        in_specs=[
            pl.BlockSpec((1, 1, _BLK), lambda i: (i, 0, 0)),
            pl.BlockSpec((_BLK, D), lambda i: (i, 0)),
            pl.BlockSpec((_BLK, D), lambda i: (i, 0)),
            pl.BlockSpec((D, D), lambda i: (0, 0)),
            pl.BlockSpec((D, D), lambda i: (0, 0)),
            pl.BlockSpec((D, D), lambda i: (0, 0)),
            pl.BlockSpec((1, D), lambda i: (0, 0)),
        ],
        out_specs=[
            pl.BlockSpec((_BLK, D), lambda i: (i, 0)),
            pl.BlockSpec((_BLK, 1), lambda i: (i, 0)),
        ],
        out_shape=[
            jax.ShapeDtypeStruct((N, D), jnp.float32),
            jax.ShapeDtypeStruct((N, 1), jnp.float32),
        ],
    )(nt3, counts[0], counts[1], tab, wt, wb, b.reshape(1, D))


def _dense_layer_body(x_ref, p0_ref, p1_ref, inv_ref, wt_ref, wb_ref, b_ref,
                      o_ref):
    agg = (p0_ref[...] + p1_ref[...]) * inv_ref[...]
    acc = jnp.dot(x_ref[...], wt_ref[...], preferred_element_type=jnp.float32)
    acc += jnp.dot(agg, wb_ref[...], preferred_element_type=jnp.float32)
    o_ref[...] = jnp.maximum(acc + b_ref[...], 0.0)


def _dense_layer(x, partials, inv_deg, W, b):
    wt, wb = W[:D], W[D:]
    return pl.pallas_call(
        _dense_layer_body,
        grid=(N // _BLK,),
        in_specs=[
            pl.BlockSpec((_BLK, D), lambda i: (i, 0)),
            pl.BlockSpec((_BLK, D), lambda i: (i, 0)),
            pl.BlockSpec((_BLK, D), lambda i: (i, 0)),
            pl.BlockSpec((_BLK, 1), lambda i: (i, 0)),
            pl.BlockSpec((D, D), lambda i: (0, 0)),
            pl.BlockSpec((D, D), lambda i: (0, 0)),
            pl.BlockSpec((1, D), lambda i: (0, 0)),
        ],
        out_specs=pl.BlockSpec((_BLK, D), lambda i: (i, 0)),
        out_shape=jax.ShapeDtypeStruct((N, D), jnp.float32),
    )(x, partials[0], partials[1], inv_deg, wt, wb, b.reshape(1, D))


def _heads_body(x_ref, wc1_ref, bc1_ref, wc2_ref, bc2_ref, v_ref,
                emb_ref, best_ref):
    i = pl.program_id(0)
    x = x_ref[...]
    h = jnp.maximum(jnp.dot(x, wc1_ref[...], preferred_element_type=jnp.float32)
                    + bc1_ref[...], 0.0)
    v = jnp.dot(h, wc2_ref[...], preferred_element_type=jnp.float32) + bc2_ref[0, 0]
    v = v[:, 0]
    v_ref[0, 0, :] = v

    blk_arg = jnp.argmax(v)
    blk_max = jnp.max(v)

    @pl.when(i == 0)
    def _():
        best_ref[0] = blk_max - 1.0

    prev = best_ref[0]
    take = blk_max > prev

    @pl.when(take)
    def _():
        best_ref[0] = blk_max
        mask = (lax.broadcasted_iota(jnp.int32, (_BLK, 1), 0) == blk_arg
                ).astype(jnp.float32)
        sel = jnp.sum(x * mask, axis=0, keepdims=True)
        emb_ref[...] = jnp.broadcast_to(sel, (8, D))


def _heads(x, Wc1, bc1, Wc2, bc2):
    values, emb = pl.pallas_call(
        _heads_body,
        grid=(N // _BLK,),
        in_specs=[
            pl.BlockSpec((_BLK, D), lambda i: (i, 0)),
            pl.BlockSpec((D, CRIT_H), lambda i: (0, 0)),
            pl.BlockSpec((1, CRIT_H), lambda i: (0, 0)),
            pl.BlockSpec((CRIT_H, 1), lambda i: (0, 0)),
            pl.BlockSpec((1, 1), lambda i: (0, 0)),
        ],
        out_specs=[
            pl.BlockSpec((1, 1, _BLK), lambda i: (i, 0, 0)),
            pl.BlockSpec((8, D), lambda i: (0, 0)),
        ],
        out_shape=[
            jax.ShapeDtypeStruct((N // _BLK, 1, _BLK), jnp.float32),
            jax.ShapeDtypeStruct((8, D), jnp.float32),
        ],
        scratch_shapes=[pltpu.SMEM((1,), jnp.float32)],
    )(x, Wc1, bc1.reshape(1, CRIT_H), Wc2, bc2.reshape(1, 1))
    return values.reshape(N), emb


def _actor_body(emb_ref, wa1_ref, ba1_ref, wa2_ref, ba2_ref, o_ref):
    h = jnp.maximum(jnp.dot(emb_ref[...], wa1_ref[...],
                            preferred_element_type=jnp.float32) + ba1_ref[...], 0.0)
    o_ref[...] = jnp.dot(h, wa2_ref[...],
                         preferred_element_type=jnp.float32) + ba2_ref[...]


def _actor(emb, Wa1, ba1, Wa2, ba2):
    out = pl.pallas_call(
        _actor_body,
        out_shape=jax.ShapeDtypeStruct((8, ADIM), jnp.float32),
    )(emb, Wa1, ba1.reshape(1, ACT_H), Wa2, ba2.reshape(1, ADIM))
    return out[0]


def kernel(node_types, edge_index, embed_table, W0, b0, W1, b1, W2, b2,
           Wc1, bc1, Wc2, bc2, Wa1, ba1, Wa2, ba2):
    nt = node_types.astype(jnp.int32)
    pad = _EPAD - E
    ei_pad = jnp.concatenate(
        [edge_index.astype(jnp.int32),
         jnp.concatenate([jnp.zeros((1, pad), jnp.int32),
                          jnp.full((1, pad), N, jnp.int32)], axis=0)], axis=1)

    counts = _sc_counts(nt, ei_pad)
    x, inv_deg = _layer0(nt, counts, embed_table, W0, b0)
    for W, b in ((W1, b1), (W2, b2)):
        partials = _sc_agg(x, ei_pad)
        x = _dense_layer(x, partials, inv_deg, W, b)
    values, emb = _heads(x, Wc1, bc1, Wc2, bc2)
    xfer = _actor(emb, Wa1, ba1, Wa2, ba2)
    return jnp.concatenate([values, xfer])

# --- scband reference (transcript-rebuilt; emitter-appended) ---
"""Pipeline reference for scband-actor-critic-35459249995866 (READ-ONLY COPY).

The authoritative reference and input builder live on the scoring server;
editing this copy changes nothing except your own understanding.
"""

import jax, jax.numpy as jnp
import numpy as np

N = 10000
E = 320000
D = 128
L = 3
NUM_GATE = 29
ACT_H = 256
CRIT_H = 128
ADIM = 512


def setup_inputs(seed: int = 0) -> dict:
    key = jax.random.key(seed)
    ks = jax.random.split(key, 24)
    node_types = jax.random.randint(ks[0], (N,), 0, NUM_GATE, dtype=jnp.int64) if jax.config.jax_enable_x64 else jax.random.randint(ks[0], (N,), 0, NUM_GATE, dtype=jnp.int32)
    edge_index = jax.random.randint(ks[1], (2, E), 0, N, dtype=jnp.int32)
    embed_table = jax.random.normal(ks[2], (NUM_GATE, D), dtype=jnp.float32) * 0.1
    s = 1.0 / np.sqrt(2 * D)
    W0 = jax.random.normal(ks[3], (2 * D, D), dtype=jnp.float32) * s
    b0 = jnp.zeros((D,), dtype=jnp.float32)
    W1 = jax.random.normal(ks[4], (2 * D, D), dtype=jnp.float32) * s
    b1 = jnp.zeros((D,), dtype=jnp.float32)
    W2 = jax.random.normal(ks[5], (2 * D, D), dtype=jnp.float32) * s
    b2 = jnp.zeros((D,), dtype=jnp.float32)
    Wc1 = jax.random.normal(ks[6], (D, CRIT_H), dtype=jnp.float32) * (1.0 / np.sqrt(D))
    bc1 = jnp.zeros((CRIT_H,), dtype=jnp.float32)
    Wc2 = jax.random.normal(ks[7], (CRIT_H, 1), dtype=jnp.float32) * (1.0 / np.sqrt(CRIT_H))
    bc2 = jnp.zeros((1,), dtype=jnp.float32)
    Wa1 = jax.random.normal(ks[8], (D, ACT_H), dtype=jnp.float32) * (1.0 / np.sqrt(D))
    ba1 = jnp.zeros((ACT_H,), dtype=jnp.float32)
    Wa2 = jax.random.normal(ks[9], (ACT_H, ADIM), dtype=jnp.float32) * (1.0 / np.sqrt(ACT_H))
    ba2 = jnp.zeros((ADIM,), dtype=jnp.float32)
    return {
        "node_types": node_types, "edge_index": edge_index, "embed_table": embed_table,
        "W0": W0, "b0": b0, "W1": W1, "b1": b1, "W2": W2, "b2": b2,
        "Wc1": Wc1, "bc1": bc1, "Wc2": Wc2, "bc2": bc2,
        "Wa1": Wa1, "ba1": ba1, "Wa2": Wa2, "ba2": ba2,
    }


def reference(node_types, edge_index, embed_table, W0, b0, W1, b1, W2, b2,
              Wc1, bc1, Wc2, bc2, Wa1, ba1, Wa2, ba2):
    # QGNN graph embedding: gate-type embedding lookup + L rounds of
    # mean-aggregation message passing with concat(self, agg) -> Linear -> ReLU.
    x = jnp.take(embed_table, node_types, axis=0)  # [N, D]
    src = edge_index[0]
    dst = edge_index[1]
    ones = jnp.ones((E, 1), dtype=jnp.float32)
    deg = jax.ops.segment_sum(ones, dst, num_segments=N)  # [N, 1]
    deg = jnp.maximum(deg, 1.0)
    for W, b in ((W0, b0), (W1, b1), (W2, b2)):
        msgs = jnp.take(x, src, axis=0)                      # gather [E, D]
        agg = jax.ops.segment_sum(msgs, dst, num_segments=N)  # scatter-add [N, D]
        agg = agg / deg
        x = jax.nn.relu(jnp.concatenate([x, agg], axis=-1) @ W + b)
    # critic: per-node value (used for node selection in act/act_batch)
    values = (jax.nn.relu(x @ Wc1 + bc1) @ Wc2 + bc2)[:, 0]  # [N]
    # deterministic stand-in for Categorical sampling: pick best-value node
    node = jnp.argmax(values)
    node_embed = x[node]
    # actor: xfer logits for the selected node
    xfer_logits = jax.nn.relu(node_embed @ Wa1 + ba1) @ Wa2 + ba2  # [ADIM]
    return jnp.concatenate([values, xfer_logits])  # [N + ADIM]

if __name__ == "__main__":
    import jax
    _d = setup_inputs()
    print(jax.jit(kernel)(*tuple(_d.values())))

</pallas_src>

<mosaic_0001>
#map = affine_map<(d0, d1) -> (0)>
#map1 = affine_map<(d0, d1) -> (0, 0)>
#map2 = affine_map<(d0, d1) -> (0, 0, 0)>
module attributes {stable_mosaic.version = 14 : i64} {
  func.func @_sc_counts_body(%arg0: i32, %arg1: i32, %arg2: memref<10000xi32, #tpu.memory_space<hbm>>, %arg3: memref<2x323584xi32, #tpu.memory_space<hbm>>, %arg4: memref<2x10240x128xf32, #tpu.memory_space<hbm>>, %arg5: memref<10112xi32, #tpu.memory_space<vmem>>, %arg6: memref<128xi32, #tpu.memory_space<vmem>>, %arg7: memref<128xi32, #tpu.memory_space<vmem>>, %arg8: memref<128x128xf32, #tpu.memory_space<vmem>>, %arg9: memref<128xi32, #tpu.memory_space<vmem>>, %arg10: memref<128x128xf32, #tpu.memory_space<vmem>>, %arg11: memref<10240x128xf32, #tpu.memory_space<vmem_shared>>, %arg12: memref<!tpu.dma_semaphore, #tpu.memory_space<semaphore_mem>>) attributes {dimension_semantics = [#tpu.dimension_semantics<core_parallel>, #tpu.dimension_semantics<subcore_parallel>], iteration_bounds = array<i64: 2, 16>, scalar_prefetch = 0 : i64, scratch_operands = 8 : i64, tpu.core_type = #tpu.core_type<sc_vector_subcore>, window_params = [{transform_indices = #map}, {transform_indices = #map1}, {transform_indices = #map2}]} {
    %mul3A = arith.constant 16 : i32
    %mul3A_0 = arith.muli %arg0, %mul3A : i32
    %add3A = arith.addi %mul3A_0, %arg1 : i32
    %iota3A = tpu.iota {dimensions = array<i32: 0>} : vector<16xi32>
    %broadcast_in_dim3A = arith.constant 1.000000e+00 : f32
    %broadcast_in_dim3A_1 = vector.broadcast %broadcast_in_dim3A : f32 to vector<16xf32>
    %broadcast_in_dim3A_2 = arith.constant 0.000000e+00 : f32
    %broadcast_in_dim3A_3 = vector.broadcast %broadcast_in_dim3A_2 : f32 to vector<16xf32>
    "tpu.region"() ({
      %run_scoped3A = tpu.sem_alloc : memref<!tpu.dma_semaphore, #tpu.memory_space<semaphore_mem>>
      %dma_start3A = arith.constant 0 : i32
      %dma_start3A_43 = tpu.memref_slice %arg5[%dma_start3A] : memref<10112xi32, #tpu.memory_space<vmem>> -> memref<10000xi32, #tpu.memory_space<vmem>>
      %dma_start3A_44 = arith.constant 0 : i32
      %dma_start3A_45 = tpu.memref_slice %arg5[%dma_start3A_44] : memref<10112xi32, #tpu.memory_space<vmem>> -> memref<10000xi32, #tpu.memory_space<vmem>>
      tpu.enqueue_dma source(%arg2 : memref<10000xi32, #tpu.memory_space<hbm>>) target(%dma_start3A_45 : memref<10000xi32, #tpu.memory_space<vmem>>) target_semaphore(%run_scoped3A : memref<!tpu.dma_semaphore, #tpu.memory_space<semaphore_mem>>)
      %dma_wait3A = arith.constant 0 : i32
      %dma_wait3A_46 = tpu.memref_slice %arg5[%dma_wait3A] : memref<10112xi32, #tpu.memory_space<vmem>> -> memref<10000xi32, #tpu.memory_space<vmem>>
      %dma_wait3A_47 = arith.constant 0 : i32
      %dma_wait3A_48 = tpu.memref_slice %arg5[%dma_wait3A_47] : memref<10112xi32, #tpu.memory_space<vmem>> -> memref<10000xi32, #tpu.memory_space<vmem>>
      tpu.wait_dma2 semaphore(%run_scoped3A : memref<!tpu.dma_semaphore, #tpu.memory_space<semaphore_mem>>) src(%arg2 : memref<10000xi32, #tpu.memory_space<hbm>>) dst(%dma_wait3A_48 : memref<10000xi32, #tpu.memory_space<vmem>>)
      tpu.yield
    }) : () -> ()
    %broadcast_in_dim3A_4 = arith.constant 0.000000e+00 : f32
    %broadcast_in_dim3A_5 = vector.broadcast %broadcast_in_dim3A_4 : f32 to vector<16xf32>
    %scan3A = arith.constant 0 : i32
    %scan3A_6 = arith.constant 0 : i32
    %scan3A_7 = arith.constant 128 : i32
    %scan3A_8 = arith.addi %scan3A_6, %scan3A_7 : i32
    %scan3A_9 = arith.constant 1 : i32
    %scan3A_10 = scf.for %scan3A_43 = %scan3A_6 to %scan3A_8 step %scan3A_9 iter_args(%scan3A_44 = %scan3A) -> (i32)  : i32 {
      %swap3A = arith.index_cast %scan3A_43 : i32 to index
      %swap3A_45 = arith.constant 0 : index
      %swap3A_46 = tpu.vector_load %arg8[%swap3A, %swap3A_45] {strides = array<i32>} : memref<128x128xf32, #tpu.memory_space<vmem>>, vector<16xf32>,
      tpu.vector_store %arg8[%swap3A, %swap3A_45], %broadcast_in_dim3A_5 {strides = array<i32>} : memref<128x128xf32, #tpu.memory_space<vmem>>, vector<16xf32>,
      %swap3A_47 = arith.index_cast %scan3A_43 : i32 to index
      %swap3A_48 = arith.constant 16 : index
      %swap3A_49 = tpu.vector_load %arg8[%swap3A_47, %swap3A_48] {strides = array<i32>} : memref<128x128xf32, #tpu.memory_space<vmem>>, vector<16xf32>,
      tpu.vector_store %arg8[%swap3A_47, %swap3A_48], %broadcast_in_dim3A_5 {strides = array<i32>} : memref<128x128xf32, #tpu.memory_space<vmem>>, vector<16xf32>,
      %swap3A_50 = arith.index_cast %scan3A_43 : i32 to index
      %swap3A_51 = arith.constant 32 : index
      %swap3A_52 = tpu.vector_load %arg8[%swap3A_50, %swap3A_51] {strides = array<i32>} : memref<128x128xf32, #tpu.memory_space<vmem>>, vector<16xf32>,
      tpu.vector_store %arg8[%swap3A_50, %swap3A_51], %broadcast_in_dim3A_5 {strides = array<i32>} : memref<128x128xf32, #tpu.memory_space<vmem>>, vector<16xf32>,
      %swap3A_53 = arith.index_cast %scan3A_43 : i32 to index
      %swap3A_54 = arith.constant 48 : index
      %swap3A_55 = tpu.vector_load %arg8[%swap3A_53, %swap3A_54] {strides = array<i32>} : memref<128x128xf32, #tpu.memory_space<vmem>>, vector<16xf32>,
      tpu.vector_store %arg8[%swap3A_53, %swap3A_54], %broadcast_in_dim3A_5 {strides = array<i32>} : memref<128x128xf32, #tpu.memory_space<vmem>>, vector<16xf32>,
      %swap3A_56 = arith.index_cast %scan3A_43 : i32 to index
      %swap3A_57 = arith.constant 64 : index
      %swap3A_58 = tpu.vector_load %arg8[%swap3A_56, %swap3A_57] {strides = array<i32>} : memref<128x128xf32, #tpu.memory_space<vmem>>, vector<16xf32>,
      tpu.vector_store %arg8[%swap3A_56, %swap3A_57], %broadcast_in_dim3A_5 {strides = array<i32>} : memref<128x128xf32, #tpu.memory_space<vmem>>, vector<16xf32>,
      %swap3A_59 = arith.index_cast %scan3A_43 : i32 to index
      %swap3A_60 = arith.constant 80 : index
      %swap3A_61 = tpu.vector_load %arg8[%swap3A_59, %swap3A_60] {strides = array<i32>} : memref<128x128xf32, #tpu.memory_space<vmem>>, vector<16xf32>,
      tpu.vector_store %arg8[%swap3A_59, %swap3A_60], %broadcast_in_dim3A_5 {strides = array<i32>} : memref<128x128xf32, #tpu.memory_space<vmem>>, vector<16xf32>,
      %swap3A_62 = arith.index_cast %scan3A_43 : i32 to index
      %swap3A_63 = arith.constant 96 : index
      %swap3A_64 = tpu.vector_load %arg8[%swap3A_62, %swap3A_63] {strides = array<i32>} : memref<128x128xf32, #tpu.memory_space<vmem>>, vector<16xf32>,
      tpu.vector_store %arg8[%swap3A_62, %swap3A_63], %broadcast_in_dim3A_5 {strides = array<i32>} : memref<128x128xf32, #tpu.memory_space<vmem>>, vector<16xf32>,
      %swap3A_65 = arith.index_cast %scan3A_43 : i32 to index
      %swap3A_66 = arith.constant 112 : index
      %swap3A_67 = tpu.vector_load %arg8[%swap3A_65, %swap3A_66] {strides = array<i32>} : memref<128x128xf32, #tpu.memory_space<vmem>>, vector<16xf32>,
      tpu.vector_store %arg8[%swap3A_65, %swap3A_66], %broadcast_in_dim3A_5 {strides = array<i32>} : memref<128x128xf32, #tpu.memory_space<vmem>>, vector<16xf32>,
      %scan3A_68 = arith.constant 0 : i32
      scf.yield %scan3A_68 : i32
    }
    %scan3A_11 = arith.constant 128 : i32
    %broadcast_in_dim3A_12 = arith.constant 0.000000e+00 : f32
    %broadcast_in_dim3A_13 = vector.broadcast %broadcast_in_dim3A_12 : f32 to vector<16xf32>
    %scan3A_14 = arith.constant 0 : i32
    %scan3A_15 = arith.constant 0 : i32
    %scan3A_16 = arith.constant 128 : i32
    %scan3A_17 = arith.addi %scan3A_15, %scan3A_16 : i32
    %scan3A_18 = arith.constant 1 : i32
    %scan3A_19 = scf.for %scan3A_43 = %scan3A_15 to %scan3A_17 step %scan3A_18 iter_args(%scan3A_44 = %scan3A_14) -> (i32)  : i32 {
      %swap3A = arith.index_cast %scan3A_43 : i32 to index
      %swap3A_45 = arith.constant 0 : index
      %swap3A_46 = tpu.vector_load %arg10[%swap3A, %swap3A_45] {strides = array<i32>} : memref<128x128xf32, #tpu.memory_space<vmem>>, vector<16xf32>,
      tpu.vector_store %arg10[%swap3A, %swap3A_45], %broadcast_in_dim3A_13 {strides = array<i32>} : memref<128x128xf32, #tpu.memory_space<vmem>>, vector<16xf32>,
      %swap3A_47 = arith.index_cast %scan3A_43 : i32 to index
      %swap3A_48 = arith.constant 16 : index
      %swap3A_49 = tpu.vector_load %arg10[%swap3A_47, %swap3A_48] {strides = array<i32>} : memref<128x128xf32, #tpu.memory_space<vmem>>, vector<16xf32>,
      tpu.vector_store %arg10[%swap3A_47, %swap3A_48], %broadcast_in_dim3A_13 {strides = array<i32>} : memref<128x128xf32, #tpu.memory_space<vmem>>, vector<16xf32>,
      %swap3A_50 = arith.index_cast %scan3A_43 : i32 to index
      %swap3A_51 = arith.constant 32 : index
      %swap3A_52 = tpu.vector_load %arg10[%swap3A_50, %swap3A_51] {strides = array<i32>} : memref<128x128xf32, #tpu.memory_space<vmem>>, vector<16xf32>,
      tpu.vector_store %arg10[%swap3A_50, %swap3A_51], %broadcast_in_dim3A_13 {strides = array<i32>} : memref<128x128xf32, #tpu.memory_space<vmem>>, vector<16xf32>,
      %swap3A_53 = arith.index_cast %scan3A_43 : i32 to index
      %swap3A_54 = arith.constant 48 : index
      %swap3A_55 = tpu.vector_load %arg10[%swap3A_53, %swap3A_54] {strides = array<i32>} : memref<128x128xf32, #tpu.memory_space<vmem>>, vector<16xf32>,
      tpu.vector_store %arg10[%swap3A_53, %swap3A_54], %broadcast_in_dim3A_13 {strides = array<i32>} : memref<128x128xf32, #tpu.memory_space<vmem>>, vector<16xf32>,
      %swap3A_56 = arith.index_cast %scan3A_43 : i32 to index
      %swap3A_57 = arith.constant 64 : index
      %swap3A_58 = tpu.vector_load %arg10[%swap3A_56, %swap3A_57] {strides = array<i32>} : memref<128x128xf32, #tpu.memory_space<vmem>>, vector<16xf32>,
      tpu.vector_store %arg10[%swap3A_56, %swap3A_57], %broadcast_in_dim3A_13 {strides = array<i32>} : memref<128x128xf32, #tpu.memory_space<vmem>>, vector<16xf32>,
      %swap3A_59 = arith.index_cast %scan3A_43 : i32 to index
      %swap3A_60 = arith.constant 80 : index
      %swap3A_61 = tpu.vector_load %arg10[%swap3A_59, %swap3A_60] {strides = array<i32>} : memref<128x128xf32, #tpu.memory_space<vmem>>, vector<16xf32>,
      tpu.vector_store %arg10[%swap3A_59, %swap3A_60], %broadcast_in_dim3A_13 {strides = array<i32>} : memref<128x128xf32, #tpu.memory_space<vmem>>, vector<16xf32>,
      %swap3A_62 = arith.index_cast %scan3A_43 : i32 to index
      %swap3A_63 = arith.constant 96 : index
      %swap3A_64 = tpu.vector_load %arg10[%swap3A_62, %swap3A_63] {strides = array<i32>} : memref<128x128xf32, #tpu.memory_space<vmem>>, vector<16xf32>,
      tpu.vector_store %arg10[%swap3A_62, %swap3A_63], %broadcast_in_dim3A_13 {strides = array<i32>} : memref<128x128xf32, #tpu.memory_space<vmem>>, vector<16xf32>,
      %swap3A_65 = arith.index_cast %scan3A_43 : i32 to index
      %swap3A_66 = arith.constant 112 : index
      %swap3A_67 = tpu.vector_load %arg10[%swap3A_65, %swap3A_66] {strides = array<i32>} : memref<128x128xf32, #tpu.memory_space<vmem>>, vector<16xf32>,
      tpu.vector_store %arg10[%swap3A_65, %swap3A_66], %broadcast_in_dim3A_13 {strides = array<i32>} : memref<128x128xf32, #tpu.memory_space<vmem>>, vector<16xf32>,
      %scan3A_68 = arith.constant 0 : i32
      scf.yield %scan3A_68 : i32
    }
    %scan3A_20 = arith.constant 128 : i32
    %mul3A_21 = arith.constant 640 : i32
    %mul3A_22 = arith.muli %arg1, %mul3A_21 : i32
    %add3A_23 = arith.constant 0 : i32
    %add3A_24 = arith.addi %mul3A_22, %add3A_23 : i32
    "tpu.region"() ({
      %run_scoped3A = tpu.sem_alloc : memref<!tpu.dma_semaphore, #tpu.memory_space<semaphore_mem>>
      %dma_start3A = arith.constant 0 : i32
      %dma_start3A_43 = arith.constant 0 : i32
      %dma_start3A_44 = tpu.memref_slice %arg10[%dma_start3A, %dma_start3A_43] : memref<128x128xf32, #tpu.memory_space<vmem>> -> memref<128x128xf32, #tpu.memory_space<vmem>>
      %dma_start3A_45 = arith.constant 0 : i32
      %dma_start3A_46 = tpu.memref_slice %arg11[%add3A_24, %dma_start3A_45] : memref<10240x128xf32, #tpu.memory_space<vmem_shared>> -> memref<128x128xf32, #tpu.memory_space<vmem_shared>>
      %dma_start3A_47 = arith.constant 0 : i32
      %dma_start3A_48 = tpu.memref_slice %arg11[%add3A_24, %dma_start3A_47] : memref<10240x128xf32, #tpu.memory_space<vmem_shared>> -> memref<128x128xf32, #tpu.memory_space<vmem_shared>>
      %dma_start3A_49 = arith.constant 0 : i32
      %dma_start3A_50 = arith.constant 0 : i32
      %dma_start3A_51 = tpu.memref_slice %arg10[%dma_start3A_49, %dma_start3A_50] : memref<128x128xf32, #tpu.memory_space<vmem>> -> memref<128x128xf32, #tpu.memory_space<vmem>>
      tpu.enqueue_dma source(%dma_start3A_51 : memref<128x128xf32, #tpu.memory_space<vmem>>) target(%dma_start3A_48 : memref<128x128xf32, #tpu.memory_space<vmem_shared>>) target_semaphore(%run_scoped3A : memref<!tpu.dma_semaphore, #tpu.memory_space<semaphore_mem>>)
      %dma_wait3A = arith.constant 0 : i32
      %dma_wait3A_52 = arith.constant 0 : i32
      %dma_wait3A_53 = tpu.memref_slice %arg10[%dma_wait3A, %dma_wait3A_52] : memref<128x128xf32, #tpu.memory_space<vmem>> -> memref<128x128xf32, #tpu.memory_space<vmem>>
      %dma_wait3A_54 = arith.constant 0 : i32
      %dma_wait3A_55 = tpu.memref_slice %arg11[%add3A_24, %dma_wait3A_54] : memref<10240x128xf32, #tpu.memory_space<vmem_shared>> -> memref<128x128xf32, #tpu.memory_space<vmem_shared>>
      %dma_wait3A_56 = arith.constant 0 : i32
      %dma_wait3A_57 = tpu.memref_slice %arg11[%add3A_24, %dma_wait3A_56] : memref<10240x128xf32, #tpu.memory_space<vmem_shared>> -> memref<128x128xf32, #tpu.memory_space<vmem_shared>>
      %dma_wait3A_58 = arith.constant 0 : i32
      %dma_wait3A_59 = arith.constant 0 : i32
      %dma_wait3A_60 = tpu.memref_slice %arg10[%dma_wait3A_58, %dma_wait3A_59] : memref<128x128xf32, #tpu.memory_space<vmem>> -> memref<128x128xf32, #tpu.memory_space<vmem>>
      tpu.wait_dma2 semaphore(%run_scoped3A : memref<!tpu.dma_semaphore, #tpu.memory_space<semaphore_mem>>) src(%dma_wait3A_60 : memref<128x128xf32, #tpu.memory_space<vmem>>) dst(%dma_wait3A_57 : memref<128x128xf32, #tpu.memory_space<vmem_shared>>)
      tpu.yield
    }) : () -> ()
    %add3A_25 = arith.constant 128 : i32
    %add3A_26 = arith.addi %mul3A_22, %add3A_25 : i32
    "tpu.region"() ({
      %run_scoped3A = tpu.sem_alloc : memref<!tpu.dma_semaphore, #tpu.memory_space<semaphore_mem>>
      %dma_start3A = arith.constant 0 : i32
      %dma_start3A_43 = arith.constant 0 : i32
      %dma_start3A_44 = tpu.memref_slice %arg10[%dma_start3A, %dma_start3A_43] : memref<128x128xf32, #tpu.memory_space<vmem>> -> memref<128x128xf32, #tpu.memory_space<vmem>>
      %dma_start3A_45 = arith.constant 0 : i32
      %dma_start3A_46 = tpu.memref_slice %arg11[%add3A_26, %dma_start3A_45] : memref<10240x128xf32, #tpu.memory_space<vmem_shared>> -> memref<128x128xf32, #tpu.memory_space<vmem_shared>>
      %dma_start3A_47 = arith.constant 0 : i32
      %dma_start3A_48 = tpu.memref_slice %arg11[%add3A_26, %dma_start3A_47] : memref<10240x128xf32, #tpu.memory_space<vmem_shared>> -> memref<128x128xf32, #tpu.memory_space<vmem_shared>>
      %dma_start3A_49 = arith.constant 0 : i32
      %dma_start3A_50 = arith.constant 0 : i32
      %dma_start3A_51 = tpu.memref_slice %arg10[%dma_start3A_49, %dma_start3A_50] : memref<128x128xf32, #tpu.memory_space<vmem>> -> memref<128x128xf32, #tpu.memory_space<vmem>>
      tpu.enqueue_dma source(%dma_start3A_51 : memref<128x128xf32, #tpu.memory_space<vmem>>) target(%dma_start3A_48 : memref<128x128xf32, #tpu.memory_space<vmem_shared>>) target_semaphore(%run_scoped3A : memref<!tpu.dma_semaphore, #tpu.memory_space<semaphore_mem>>)
      %dma_wait3A = arith.constant 0 : i32
      %dma_wait3A_52 = arith.constant 0 : i32
      %dma_wait3A_53 = tpu.memref_slice %arg10[%dma_wait3A, %dma_wait3A_52] : memref<128x128xf32, #tpu.memory_space<vmem>> -> memref<128x128xf32, #tpu.memory_space<vmem>>
      %dma_wait3A_54 = arith.constant 0 : i32
      %dma_wait3A_55 = tpu.memref_slice %arg11[%add3A_26, %dma_wait3A_54] : memref<10240x128xf32, #tpu.memory_space<vmem_shared>> -> memref<128x128xf32, #tpu.memory_space<vmem_shared>>
      %dma_wait3A_56 = arith.constant 0 : i32
      %dma_wait3A_57 = tpu.memref_slice %arg11[%add3A_26, %dma_wait3A_56] : memref<10240x128xf32, #tpu.memory_space<vmem_shared>> -> memref<128x128xf32, #tpu.memory_space<vmem_shared>>
      %dma_wait3A_58 = arith.constant 0 : i32
      %dma_wait3A_59 = arith.constant 0 : i32
      %dma_wait3A_60 = tpu.memref_slice %arg10[%dma_wait3A_58, %dma_wait3A_59] : memref<128x128xf32, #tpu.memory_space<vmem>> -> memref<128x128xf32, #tpu.memory_space<vmem>>
      tpu.wait_dma2 semaphore(%run_scoped3A : memref<!tpu.dma_semaphore, #tpu.memory_space<semaphore_mem>>) src(%dma_wait3A_60 : memref<128x128xf32, #tpu.memory_space<vmem>>) dst(%dma_wait3A_57 : memref<128x128xf32, #tpu.memory_space<vmem_shared>>)
      tpu.yield
    }) : () -> ()
    %add3A_27 = arith.constant 256 : i32
    %add3A_28 = arith.addi %mul3A_22, %add3A_27 : i32
    "tpu.region"() ({
      %run_scoped3A = tpu.sem_alloc : memref<!tpu.dma_semaphore, #tpu.memory_space<semaphore_mem>>
      %dma_start3A = arith.constant 0 : i32
      %dma_start3A_43 = arith.constant 0 : i32
      %dma_start3A_44 = tpu.memref_slice %arg10[%dma_start3A, %dma_start3A_43] : memref<128x128xf32, #tpu.memory_space<vmem>> -> memref<128x128xf32, #tpu.memory_space<vmem>>
      %dma_start3A_45 = arith.constant 0 : i32
      %dma_start3A_46 = tpu.memref_slice %arg11[%add3A_28, %dma_start3A_45] : memref<10240x128xf32, #tpu.memory_space<vmem_shared>> -> memref<128x128xf32, #tpu.memory_space<vmem_shared>>
      %dma_start3A_47 = arith.constant 0 : i32
      %dma_start3A_48 = tpu.memref_slice %arg11[%add3A_28, %dma_start3A_47] : memref<10240x128xf32, #tpu.memory_space<vmem_shared>> -> memref<128x128xf32, #tpu.memory_space<vmem_shared>>
      %dma_start3A_49 = arith.constant 0 : i32
      %dma_start3A_50 = arith.constant 0 : i32
      %dma_start3A_51 = tpu.memref_slice %arg10[%dma_start3A_49, %dma_start3A_50] : memref<128x128xf32, #tpu.memory_space<vmem>> -> memref<128x128xf32, #tpu.memory_space<vmem>>
      tpu.enqueue_dma source(%dma_start3A_51 : memref<128x128xf32, #tpu.memory_space<vmem>>) target(%dma_start3A_48 : memref<128x128xf32, #tpu.memory_space<vmem_shared>>) target_semaphore(%run_scoped3A : memref<!tpu.dma_semaphore, #tpu.memory_space<semaphore_mem>>)
      %dma_wait3A = arith.constant 0 : i32
      %dma_wait3A_52 = arith.constant 0 : i32
      %dma_wait3A_53 = tpu.memref_slice %arg10[%dma_wait3A, %dma_wait3A_52] : memref<128x128xf32, #tpu.memory_space<vmem>> -> memref<128x128xf32, #tpu.memory_space<vmem>>
      %dma_wait3A_54 = arith.constant 0 : i32
      %dma_wait3A_55 = tpu.memref_slice %arg11[%add3A_28, %dma_wait3A_54] : memref<10240x128xf32, #tpu.memory_space<vmem_shared>> -> memref<128x128xf32, #tpu.memory_space<vmem_shared>>
      %dma_wait3A_56 = arith.constant 0 : i32
      %dma_wait3A_57 = tpu.memref_slice %arg11[%add3A_28, %dma_wait3A_56] : memref<10240x128xf32, #tpu.memory_space<vmem_shared>> -> memref<128x128xf32, #tpu.memory_space<vmem_shared>>
      %dma_wait3A_58 = arith.constant 0 : i32
      %dma_wait3A_59 = arith.constant 0 : i32
      %dma_wait3A_60 = tpu.memref_slice %arg10[%dma_wait3A_58, %dma_wait3A_59] : memref<128x128xf32, #tpu.memory_space<vmem>> -> memref<128x128xf32, #tpu.memory_space<vmem>>
      tpu.wait_dma2 semaphore(%run_scoped3A : memref<!tpu.dma_semaphore, #tpu.memory_space<semaphore_mem>>) src(%dma_wait3A_60 : memref<128x128xf32, #tpu.memory_space<vmem>>) dst(%dma_wait3A_57 : memref<128x128xf32, #tpu.memory_space<vmem_shared>>)
      tpu.yield
    }) : () -> ()
    %add3A_29 = arith.constant 384 : i32
    %add3A_30 = arith.addi %mul3A_22, %add3A_29 : i32
    "tpu.region"() ({
      %run_scoped3A = tpu.sem_alloc : memref<!tpu.dma_semaphore, #tpu.memory_space<semaphore_mem>>
      %dma_start3A = arith.constant 0 : i32
      %dma_start3A_43 = arith.constant 0 : i32
      %dma_start3A_44 = tpu.memref_slice %arg10[%dma_start3A, %dma_start3A_43] : memref<128x128xf32, #tpu.memory_space<vmem>> -> memref<128x128xf32, #tpu.memory_space<vmem>>
      %dma_start3A_45 = arith.constant 0 : i32
      %dma_start3A_46 = tpu.memref_slice %arg11[%add3A_30, %dma_start3A_45] : memref<10240x128xf32, #tpu.memory_space<vmem_shared>> -> memref<128x128xf32, #tpu.memory_space<vmem_shared>>
      %dma_start3A_47 = arith.constant 0 : i32
      %dma_start3A_48 = tpu.memref_slice %arg11[%add3A_30, %dma_start3A_47] : memref<10240x128xf32, #tpu.memory_space<vmem_shared>> -> memref<128x128xf32, #tpu.memory_space<vmem_shared>>
      %dma_start3A_49 = arith.constant 0 : i32
      %dma_start3A_50 = arith.constant 0 : i32
      %dma_start3A_51 = tpu.memref_slice %arg10[%dma_start3A_49, %dma_start3A_50] : memref<128x128xf32, #tpu.memory_space<vmem>> -> memref<128x128xf32, #tpu.memory_space<vmem>>
      tpu.enqueue_dma source(%dma_start3A_51 : memref<128x128xf32, #tpu.memory_space<vmem>>) target(%dma_start3A_48 : memref<128x128xf32, #tpu.memory_space<vmem_shared>>) target_semaphore(%run_scoped3A : memref<!tpu.dma_semaphore, #tpu.memory_space<semaphore_mem>>)
      %dma_wait3A = arith.constant 0 : i32
      %dma_wait3A_52 = arith.constant 0 : i32
      %dma_wait3A_53 = tpu.memref_slice %arg10[%dma_wait3A, %dma_wait3A_52] : memref<128x128xf32, #tpu.memory_space<vmem>> -> memref<128x128xf32, #tpu.memory_space<vmem>>
      %dma_wait3A_54 = arith.constant 0 : i32
      %dma_wait3A_55 = tpu.memref_slice %arg11[%add3A_30, %dma_wait3A_54] : memref<10240x128xf32, #tpu.memory_space<vmem_shared>> -> memref<128x128xf32, #tpu.memory_space<vmem_shared>>
      %dma_wait3A_56 = arith.constant 0 : i32
      %dma_wait3A_57 = tpu.memref_slice %arg11[%add3A_30, %dma_wait3A_56] : memref<10240x128xf32, #tpu.memory_space<vmem_shared>> -> memref<128x128xf32, #tpu.memory_space<vmem_shared>>
      %dma_wait3A_58 = arith.constant 0 : i32
      %dma_wait3A_59 = arith.constant 0 : i32
      %dma_wait3A_60 = tpu.memref_slice %arg10[%dma_wait3A_58, %dma_wait3A_59] : memref<128x128xf32, #tpu.memory_space<vmem>> -> memref<128x128xf32, #tpu.memory_space<vmem>>
      tpu.wait_dma2 semaphore(%run_scoped3A : memref<!tpu.dma_semaphore, #tpu.memory_space<semaphore_mem>>) src(%dma_wait3A_60 : memref<128x128xf32, #tpu.memory_space<vmem>>) dst(%dma_wait3A_57 : memref<128x128xf32, #tpu.memory_space<vmem_shared>>)
      tpu.yield
    }) : () -> ()
    %add3A_31 = arith.constant 512 : i32
    %add3A_32 = arith.addi %mul3A_22, %add3A_31 : i32
    "tpu.region"() ({
      %run_scoped3A = tpu.sem_alloc : memref<!tpu.dma_semaphore, #tpu.memory_space<semaphore_mem>>
      %dma_start3A = arith.constant 0 : i32
      %dma_start3A_43 = arith.constant 0 : i32
      %dma_start3A_44 = tpu.memref_slice %arg10[%dma_start3A, %dma_start3A_43] : memref<128x128xf32, #tpu.memory_space<vmem>> -> memref<128x128xf32, #tpu.memory_space<vmem>>
      %dma_start3A_45 = arith.constant 0 : i32
      %dma_start3A_46 = tpu.memref_slice %arg11[%add3A_32, %dma_start3A_45] : memref<10240x128xf32, #tpu.memory_space<vmem_shared>> -> memref<128x128xf32, #tpu.memory_space<vmem_shared>>
      %dma_start3A_47 = arith.constant 0 : i32
      %dma_start3A_48 = tpu.memref_slice %arg11[%add3A_32, %dma_start3A_47] : memref<10240x128xf32, #tpu.memory_space<vmem_shared>> -> memref<128x128xf32, #tpu.memory_space<vmem_shared>>
      %dma_start3A_49 = arith.constant 0 : i32
      %dma_start3A_50 = arith.constant 0 : i32
      %dma_start3A_51 = tpu.memref_slice %arg10[%dma_start3A_49, %dma_start3A_50] : memref<128x128xf32, #tpu.memory_space<vmem>> -> memref<128x128xf32, #tpu.memory_space<vmem>>
      tpu.enqueue_dma source(%dma_start3A_51 : memref<128x128xf32, #tpu.memory_space<vmem>>) target(%dma_start3A_48 : memref<128x128xf32, #tpu.memory_space<vmem_shared>>) target_semaphore(%run_scoped3A : memref<!tpu.dma_semaphore, #tpu.memory_space<semaphore_mem>>)
      %dma_wait3A = arith.constant 0 : i32
      %dma_wait3A_52 = arith.constant 0 : i32
      %dma_wait3A_53 = tpu.memref_slice %arg10[%dma_wait3A, %dma_wait3A_52] : memref<128x128xf32, #tpu.memory_space<vmem>> -> memref<128x128xf32, #tpu.memory_space<vmem>>
      %dma_wait3A_54 = arith.constant 0 : i32
      %dma_wait3A_55 = tpu.memref_slice %arg11[%add3A_32, %dma_wait3A_54] : memref<10240x128xf32, #tpu.memory_space<vmem_shared>> -> memref<128x128xf32, #tpu.memory_space<vmem_shared>>
      %dma_wait3A_56 = arith.constant 0 : i32
      %dma_wait3A_57 = tpu.memref_slice %arg11[%add3A_32, %dma_wait3A_56] : memref<10240x128xf32, #tpu.memory_space<vmem_shared>> -> memref<128x128xf32, #tpu.memory_space<vmem_shared>>
      %dma_wait3A_58 = arith.constant 0 : i32
      %dma_wait3A_59 = arith.constant 0 : i32
      %dma_wait3A_60 = tpu.memref_slice %arg10[%dma_wait3A_58, %dma_wait3A_59] : memref<128x128xf32, #tpu.memory_space<vmem>> -> memref<128x128xf32, #tpu.memory_space<vmem>>
      tpu.wait_dma2 semaphore(%run_scoped3A : memref<!tpu.dma_semaphore, #tpu.memory_space<semaphore_mem>>) src(%dma_wait3A_60 : memref<128x128xf32, #tpu.memory_space<vmem>>) dst(%dma_wait3A_57 : memref<128x128xf32, #tpu.memory_space<vmem_shared>>)
      tpu.yield
    }) : () -> ()
    %barrier3A = arith.constant 0 : index
    tpu.barrier barrier_id(%barrier3A)
    %scan3A_33 = arith.constant 0 : i32
    %scan3A_34 = arith.constant 0 : i32
    %scan3A_35 = arith.constant 79 : i32
    %scan3A_36 = arith.addi %scan3A_34, %scan3A_35 : i32
    %scan3A_37 = arith.constant 1 : i32
    %scan3A_38 = scf.for %scan3A_43 = %scan3A_34 to %scan3A_36 step %scan3A_37 iter_args(%scan3A_44 = %scan3A_33) -> (i32)  : i32 {
      %mul3A_45 = arith.constant 79 : i32
      %mul3A_46 = arith.muli %add3A, %mul3A_45 : i32
      %add3A_47 = arith.addi %mul3A_46, %scan3A_43 : i32
      %mul3A_48 = arith.constant 128 : i32
      %mul3A_49 = arith.muli %add3A_47, %mul3A_48 : i32
      %run_scoped3A = arith.constant 0 : i32
      "tpu.region"() ({
        %run_scoped3A_153 = tpu.sem_alloc : memref<!tpu.dma_semaphore, #tpu.memory_space<semaphore_mem>>
        %dma_start3A = tpu.memref_slice %arg3[%run_scoped3A, %mul3A_49] : memref<2x323584xi32, #tpu.memory_space<hbm>> -> memref<1x128xi32, #tpu.memory_space<hbm>>
        %dma_start3A_154 = tpu.memref_squeeze %dma_start3A : memref<1x128xi32, #tpu.memory_space<hbm>> -> memref<128xi32, #tpu.memory_space<hbm>>
        %dma_start3A_155 = tpu.memref_slice %arg3[%run_scoped3A, %mul3A_49] : memref<2x323584xi32, #tpu.memory_space<hbm>> -> memref<1x128xi32, #tpu.memory_space<hbm>>
        %dma_start3A_156 = tpu.memref_squeeze %dma_start3A_155 : memref<1x128xi32, #tpu.memory_space<hbm>> -> memref<128xi32, #tpu.memory_space<hbm>>
        tpu.enqueue_dma source(%dma_start3A_156 : memref<128xi32, #tpu.memory_space<hbm>>) target(%arg6 : memref<128xi32, #tpu.memory_space<vmem>>) target_semaphore(%run_scoped3A_153 : memref<!tpu.dma_semaphore, #tpu.memory_space<semaphore_mem>>)
        %dma_wait3A = tpu.memref_slice %arg3[%run_scoped3A, %mul3A_49] : memref<2x323584xi32, #tpu.memory_space<hbm>> -> memref<1x128xi32, #tpu.memory_space<hbm>>
        %dma_wait3A_157 = tpu.memref_squeeze %dma_wait3A : memref<1x128xi32, #tpu.memory_space<hbm>> -> memref<128xi32, #tpu.memory_space<hbm>>
        %dma_wait3A_158 = tpu.memref_slice %arg3[%run_scoped3A, %mul3A_49] : memref<2x323584xi32, #tpu.memory_space<hbm>> -> memref<1x128xi32, #tpu.memory_space<hbm>>
        %dma_wait3A_159 = tpu.memref_squeeze %dma_wait3A_158 : memref<1x128xi32, #tpu.memory_space<hbm>> -> memref<128xi32, #tpu.memory_space<hbm>>
        tpu.wait_dma2 semaphore(%run_scoped3A_153 : memref<!tpu.dma_semaphore, #tpu.memory_space<semaphore_mem>>) src(%dma_wait3A_159 : memref<128xi32, #tpu.memory_space<hbm>>) dst(%arg6 : memref<128xi32, #tpu.memory_space<vmem>>)
        tpu.yield
      }) : () -> ()
      %run_scoped3A_50 = arith.constant 1 : i32
      "tpu.region"() ({
        %run_scoped3A_153 = tpu.sem_alloc : memref<!tpu.dma_semaphore, #tpu.memory_space<semaphore_mem>>
        %dma_start3A = tpu.memref_slice %arg3[%run_scoped3A_50, %mul3A_49] : memref<2x323584xi32, #tpu.memory_space<hbm>> -> memref<1x128xi32, #tpu.memory_space<hbm>>
        %dma_start3A_154 = tpu.memref_squeeze %dma_start3A : memref<1x128xi32, #tpu.memory_space<hbm>> -> memref<128xi32, #tpu.memory_space<hbm>>
        %dma_start3A_155 = tpu.memref_slice %arg3[%run_scoped3A_50, %mul3A_49] : memref<2x323584xi32, #tpu.memory_space<hbm>> -> memref<1x128xi32, #tpu.memory_space<hbm>>
        %dma_start3A_156 = tpu.memref_squeeze %dma_start3A_155 : memref<1x128xi32, #tpu.memory_space<hbm>> -> memref<128xi32, #tpu.memory_space<hbm>>
        tpu.enqueue_dma source(%dma_start3A_156 : memref<128xi32, #tpu.memory_space<hbm>>) target(%arg7 : memref<128xi32, #tpu.memory_space<vmem>>) target_semaphore(%run_scoped3A_153 : memref<!tpu.dma_semaphore, #tpu.memory_space<semaphore_mem>>)
        %dma_wait3A = tpu.memref_slice %arg3[%run_scoped3A_50, %mul3A_49] : memref<2x323584xi32, #tpu.memory_space<hbm>> -> memref<1x128xi32, #tpu.memory_space<hbm>>
        %dma_wait3A_157 = tpu.memref_squeeze %dma_wait3A : memref<1x128xi32, #tpu.memory_space<hbm>> -> memref<128xi32, #tpu.memory_space<hbm>>
        %dma_wait3A_158 = tpu.memref_slice %arg3[%run_scoped3A_50, %mul3A_49] : memref<2x323584xi32, #tpu.memory_space<hbm>> -> memref<1x128xi32, #tpu.memory_space<hbm>>
        %dma_wait3A_159 = tpu.memref_squeeze %dma_wait3A_158 : memref<1x128xi32, #tpu.memory_space<hbm>> -> memref<128xi32, #tpu.memory_space<hbm>>
        tpu.wait_dma2 semaphore(%run_scoped3A_153 : memref<!tpu.dma_semaphore, #tpu.memory_space<semaphore_mem>>) src(%dma_wait3A_159 : memref<128xi32, #tpu.memory_space<hbm>>) dst(%arg7 : memref<128xi32, #tpu.memory_space<vmem>>)
        tpu.yield
      }) : () -> ()
      %get3A = arith.constant 0 : index
      %get3A_51 = tpu.vector_load %arg6[%get3A] {strides = array<i32>} : memref<128xi32, #tpu.memory_space<vmem>>, vector<16xi32>,
      %gather3A = tpu.vector_load_idx %arg5[%get3A_51] : memref<10112xi32, #tpu.memory_space<vmem>>[vector<16xi32>], vector<16xi32>,
      %add3A_52 = arith.constant 0 : i32
      %add3A_53 = vector.broadcast %add3A_52 : i32 to vector<16xi32>
      %add3A_54 = arith.addi %iota3A, %add3A_53 : vector<16xi32>
      tpu.vector_store_idx %arg8[%add3A_54, %gather3A], %broadcast_in_dim3A_1 : memref<128x128xf32, #tpu.memory_space<vmem>>[vector<16xi32>, vector<16xi32>], vector<16xf32>,
      %swap3A = arith.constant 0 : index
      %swap3A_55 = tpu.vector_load %arg9[%swap3A] {strides = array<i32>} : memref<128xi32, #tpu.memory_space<vmem>>, vector<16xi32>,
      tpu.vector_store %arg9[%swap3A], %gather3A {strides = array<i32>} : memref<128xi32, #tpu.memory_space<vmem>>, vector<16xi32>,
      %get3A_56 = arith.constant 16 : index
      %get3A_57 = tpu.vector_load %arg6[%get3A_56] {strides = array<i32>} : memref<128xi32, #tpu.memory_space<vmem>>, vector<16xi32>,
      %gather3A_58 = tpu.vector_load_idx %arg5[%get3A_57] : memref<10112xi32, #tpu.memory_space<vmem>>[vector<16xi32>], vector<16xi32>,
      %add3A_59 = arith.constant 16 : i32
      %add3A_60 = vector.broadcast %add3A_59 : i32 to vector<16xi32>
      %add3A_61 = arith.addi %iota3A, %add3A_60 : vector<16xi32>
      tpu.vector_store_idx %arg8[%add3A_61, %gather3A_58], %broadcast_in_dim3A_1 : memref<128x128xf32, #tpu.memory_space<vmem>>[vector<16xi32>, vector<16xi32>], vector<16xf32>,
      %swap3A_62 = arith.constant 16 : index
      %swap3A_63 = tpu.vector_load %arg9[%swap3A_62] {strides = array<i32>} : memref<128xi32, #tpu.memory_space<vmem>>, vector<16xi32>,
      tpu.vector_store %arg9[%swap3A_62], %gather3A_58 {strides = array<i32>} : memref<128xi32, #tpu.memory_space<vmem>>, vector<16xi32>,
      %get3A_64 = arith.constant 32 : index
      %get3A_65 = tpu.vector_load %arg6[%get3A_64] {strides = array<i32>} : memref<128xi32, #tpu.memory_space<vmem>>, vector<16xi32>,
      %gather3A_66 = tpu.vector_load_idx %arg5[%get3A_65] : memref<10112xi32, #tpu.memory_space<vmem>>[vector<16xi32>], vector<16xi32>,
      %add3A_67 = arith.constant 32 : i32
      %add3A_68 = vector.broadcast %add3A_67 : i32 to vector<16xi32>
      %add3A_69 = arith.addi %iota3A, %add3A_68 : vector<16xi32>
      tpu.vector_store_idx %arg8[%add3A_69, %gather3A_66], %broadcast_in_dim3A_1 : memref<128x128xf32, #tpu.memory_space<vmem>>[vector<16xi32>, vector<16xi32>], vector<16xf32>,
      %swap3A_70 = arith.constant 32 : index
      %swap3A_71 = tpu.vector_load %arg9[%swap3A_70] {strides = array<i32>} : memref<128xi32, #tpu.memory_space<vmem>>, vector<16xi32>,
      tpu.vector_store %arg9[%swap3A_70], %gather3A_66 {strides = array<i32>} : memref<128xi32, #tpu.memory_space<vmem>>, vector<16xi32>,
      %get3A_72 = arith.constant 48 : index
      %get3A_73 = tpu.vector_load %arg6[%get3A_72] {strides = array<i32>} : memref<128xi32, #tpu.memory_space<vmem>>, vector<16xi32>,
      %gather3A_74 = tpu.vector_load_idx %arg5[%get3A_73] : memref<10112xi32, #tpu.memory_space<vmem>>[vector<16xi32>], vector<16xi32>,
      %add3A_75 = arith.constant 48 : i32
      %add3A_76 = vector.broadcast %add3A_75 : i32 to vector<16xi32>
      %add3A_77 = arith.addi %iota3A, %add3A_76 : vector<16xi32>
      tpu.vector_store_idx %arg8[%add3A_77, %gather3A_74], %broadcast_in_dim3A_1 : memref<128x128xf32, #tpu.memory_space<vmem>>[vector<16xi32>, vector<16xi32>], vector<16xf32>,
      %swap3A_78 = arith.constant 48 : index
      %swap3A_79 = tpu.vector_load %arg9[%swap3A_78] {strides = array<i32>} : memref<128xi32, #tpu.memory_space<vmem>>, vector<16xi32>,
      tpu.vector_store %arg9[%swap3A_78], %gather3A_74 {strides = array<i32>} : memref<128xi32, #tpu.memory_space<vmem>>, vector<16xi32>,
      %get3A_80 = arith.constant 64 : index
      %get3A_81 = tpu.vector_load %arg6[%get3A_80] {strides = array<i32>} : memref<128xi32, #tpu.memory_space<vmem>>, vector<16xi32>,
      %gather3A_82 = tpu.vector_load_idx %arg5[%get3A_81] : memref<10112xi32, #tpu.memory_space<vmem>>[vector<16xi32>], vector<16xi32>,
      %add3A_83 = arith.constant 64 : i32
      %add3A_84 = vector.broadcast %add3A_83 : i32 to vector<16xi32>
      %add3A_85 = arith.addi %iota3A, %add3A_84 : vector<16xi32>
      tpu.vector_store_idx %arg8[%add3A_85, %gather3A_82], %broadcast_in_dim3A_1 : memref<128x128xf32, #tpu.memory_space<vmem>>[vector<16xi32>, vector<16xi32>], vector<16xf32>,
      %swap3A_86 = arith.constant 64 : index
      %swap3A_87 = tpu.vector_load %arg9[%swap3A_86] {strides = array<i32>} : memref<128xi32, #tpu.memory_space<vmem>>, vector<16xi32>,
      tpu.vector_store %arg9[%swap3A_86], %gather3A_82 {strides = array<i32>} : memref<128xi32, #tpu.memory_space<vmem>>, vector<16xi32>,
      %get3A_88 = arith.constant 80 : index
      %get3A_89 = tpu.vector_load %arg6[%get3A_88] {strides = array<i32>} : memref<128xi32, #tpu.memory_space<vmem>>, vector<16xi32>,
      %gather3A_90 = tpu.vector_load_idx %arg5[%get3A_89] : memref<10112xi32, #tpu.memory_space<vmem>>[vector<16xi32>], vector<16xi32>,
      %add3A_91 = arith.constant 80 : i32
      %add3A_92 = vector.broadcast %add3A_91 : i32 to vector<16xi32>
      %add3A_93 = arith.addi %iota3A, %add3A_92 : vector<16xi32>
      tpu.vector_store_idx %arg8[%add3A_93, %gather3A_90], %broadcast_in_dim3A_1 : memref<128x128xf32, #tpu.memory_space<vmem>>[vector<16xi32>, vector<16xi32>], vector<16xf32>,
      %swap3A_94 = arith.constant 80 : index
      %swap3A_95 = tpu.vector_load %arg9[%swap3A_94] {strides = array<i32>} : memref<128xi32, #tpu.memory_space<vmem>>, vector<16xi32>,
      tpu.vector_store %arg9[%swap3A_94], %gather3A_90 {strides = array<i32>} : memref<128xi32, #tpu.memory_space<vmem>>, vector<16xi32>,
      %get3A_96 = arith.constant 96 : index
      %get3A_97 = tpu.vector_load %arg6[%get3A_96] {strides = array<i32>} : memref<128xi32, #tpu.memory_space<vmem>>, vector<16xi32>,
      %gather3A_98 = tpu.vector_load_idx %arg5[%get3A_97] : memref<10112xi32, #tpu.memory_space<vmem>>[vector<16xi32>], vector<16xi32>,
      %add3A_99 = arith.constant 96 : i32
      %add3A_100 = vector.broadcast %add3A_99 : i32 to vector<16xi32>
      %add3A_101 = arith.addi %iota3A, %add3A_100 : vector<16xi32>
      tpu.vector_store_idx %arg8[%add3A_101, %gather3A_98], %broadcast_in_dim3A_1 : memref<128x128xf32, #tpu.memory_space<vmem>>[vector<16xi32>, vector<16xi32>], vector<16xf32>,
      %swap3A_102 = arith.constant 96 : index
      %swap3A_103 = tpu.vector_load %arg9[%swap3A_102] {strides = array<i32>} : memref<128xi32, #tpu.memory_space<vmem>>, vector<16xi32>,
      tpu.vector_store %arg9[%swap3A_102], %gather3A_98 {strides = array<i32>} : memref<128xi32, #tpu.memory_space<vmem>>, vector<16xi32>,
      %get3A_104 = arith.constant 112 : index
      %get3A_105 = tpu.vector_load %arg6[%get3A_104] {strides = array<i32>} : memref<128xi32, #tpu.memory_space<vmem>>, vector<16xi32>,
      %gather3A_106 = tpu.vector_load_idx %arg5[%get3A_105] : memref<10112xi32, #tpu.memory_space<vmem>>[vector<16xi32>], vector<16xi32>,
      %add3A_107 = arith.constant 112 : i32
      %add3A_108 = vector.broadcast %add3A_107 : i32 to vector<16xi32>
      %add3A_109 = arith.addi %iota3A, %add3A_108 : vector<16xi32>
      tpu.vector_store_idx %arg8[%add3A_109, %gather3A_106], %broadcast_in_dim3A_1 : memref<128x128xf32, #tpu.memory_space<vmem>>[vector<16xi32>, vector<16xi32>], vector<16xf32>,
      %swap3A_110 = arith.constant 112 : index
      %swap3A_111 = tpu.vector_load %arg9[%swap3A_110] {strides = array<i32>} : memref<128xi32, #tpu.memory_space<vmem>>, vector<16xi32>,
      tpu.vector_store %arg9[%swap3A_110], %gather3A_106 {strides = array<i32>} : memref<128xi32, #tpu.memory_space<vmem>>, vector<16xi32>,
      "tpu.region"() ({
        %run_scoped3A_153 = tpu.sem_alloc : memref<!tpu.dma_semaphore, #tpu.memory_space<semaphore_mem>>
        %dma_start3A = arith.constant 0 : i32
        %dma_start3A_154 = arith.constant 0 : i32
        %dma_start3A_155 = tpu.memref_slice %arg11[%dma_start3A, %dma_start3A_154] : memref<10240x128xf32, #tpu.memory_space<vmem_shared>> -> memref<10240x128xf32, #tpu.memory_space<vmem_shared>>
        tpu.enqueue_indirect_dma source(%arg8 : memref<128x128xf32, #tpu.memory_space<vmem>>) target(%dma_start3A_155 : memref<10240x128xf32, #tpu.memory_space<vmem_shared>>) offsets(%arg7 : memref<128xi32, #tpu.memory_space<vmem>>) semaphore(%run_scoped3A_153 : memref<!tpu.dma_semaphore, #tpu.memory_space<semaphore_mem>>) {add = true}
        %dma_wait3A = arith.constant 0 : i32
        %dma_wait3A_156 = arith.constant 0 : i32
        %dma_wait3A_157 = tpu.memref_slice %arg11[%dma_wait3A, %dma_wait3A_156] : memref<10240x128xf32, #tpu.memory_space<vmem_shared>> -> memref<10240x128xf32, #tpu.memory_space<vmem_shared>>
        tpu.wait_indirect_dma semaphore(%run_scoped3A_153 : memref<!tpu.dma_semaphore, #tpu.memory_space<semaphore_mem>>) src(%arg8 : memref<128x128xf32, #tpu.memory_space<vmem>>) dst(%dma_wait3A_157 : memref<10240x128xf32, #tpu.memory_space<vmem_shared>>)
        tpu.yield
      }) : () -> ()
      %get3A_112 = arith.constant 0 : index
      %get3A_113 = tpu.vector_load %arg9[%get3A_112] {strides = array<i32>} : memref<128xi32, #tpu.memory_space<vmem>>, vector<16xi32>,
      %add3A_114 = arith.constant 0 : i32
      %add3A_115 = vector.broadcast %add3A_114 : i32 to vector<16xi32>
      %add3A_116 = arith.addi %iota3A, %add3A_115 : vector<16xi32>
      tpu.vector_store_idx %arg8[%add3A_116, %get3A_113], %broadcast_in_dim3A_3 : memref<128x128xf32, #tpu.memory_space<vmem>>[vector<16xi32>, vector<16xi32>], vector<16xf32>,
      %get3A_117 = arith.constant 16 : index
      %get3A_118 = tpu.vector_load %arg9[%get3A_117] {strides = array<i32>} : memref<128xi32, #tpu.memory_space<vmem>>, vector<16xi32>,
      %add3A_119 = arith.constant 16 : i32
      %add3A_120 = vector.broadcast %add3A_119 : i32 to vector<16xi32>
      %add3A_121 = arith.addi %iota3A, %add3A_120 : vector<16xi32>
      tpu.vector_store_idx %arg8[%add3A_121, %get3A_118], %broadcast_in_dim3A_3 : memref<128x128xf32, #tpu.memory_space<vmem>>[vector<16xi32>, vector<16xi32>], vector<16xf32>,
      %get3A_122 = arith.constant 32 : index
      %get3A_123 = tpu.vector_load %arg9[%get3A_122] {strides = array<i32>} : memref<128xi32, #tpu.memory_space<vmem>>, vector<16xi32>,
      %add3A_124 = arith.constant 32 : i32
      %add3A_125 = vector.broadcast %add3A_124 : i32 to vector<16xi32>
      %add3A_126 = arith.addi %iota3A, %add3A_125 : vector<16xi32>
      tpu.vector_store_idx %arg8[%add3A_126, %get3A_123], %broadcast_in_dim3A_3 : memref<128x128xf32, #tpu.memory_space<vmem>>[vector<16xi32>, vector<16xi32>], vector<16xf32>,
      %get3A_127 = arith.constant 48 : index
      %get3A_128 = tpu.vector_load %arg9[%get3A_127] {strides = array<i32>} : memref<128xi32, #tpu.memory_space<vmem>>, vector<16xi32>,
      %add3A_129 = arith.constant 48 : i32
      %add3A_130 = vector.broadcast %add3A_129 : i32 to vector<16xi32>
      %add3A_131 = arith.addi %iota3A, %add3A_130 : vector<16xi32>
      tpu.vector_store_idx %arg8[%add3A_131, %get3A_128], %broadcast_in_dim3A_3 : memref<128x128xf32, #tpu.memory_space<vmem>>[vector<16xi32>, vector<16xi32>], vector<16xf32>,
      %get3A_132 = arith.constant 64 : index
      %get3A_133 = tpu.vector_load %arg9[%get3A_132] {strides = array<i32>} : memref<128xi32, #tpu.memory_space<vmem>>, vector<16xi32>,
      %add3A_134 = arith.constant 64 : i32
      %add3A_135 = vector.broadcast %add3A_134 : i32 to vector<16xi32>
      %add3A_136 = arith.addi %iota3A, %add3A_135 : vector<16xi32>
      tpu.vector_store_idx %arg8[%add3A_136, %get3A_133], %broadcast_in_dim3A_3 : memref<128x128xf32, #tpu.memory_space<vmem>>[vector<16xi32>, vector<16xi32>], vector<16xf32>,
      %get3A_137 = arith.constant 80 : index
      %get3A_138 = tpu.vector_load %arg9[%get3A_137] {strides = array<i32>} : memref<128xi32, #tpu.memory_space<vmem>>, vector<16xi32>,
      %add3A_139 = arith.constant 80 : i32
      %add3A_140 = vector.broadcast %add3A_139 : i32 to vector<16xi32>
      %add3A_141 = arith.addi %iota3A, %add3A_140 : vector<16xi32>
      tpu.vector_store_idx %arg8[%add3A_141, %get3A_138], %broadcast_in_dim3A_3 : memref<128x128xf32, #tpu.memory_space<vmem>>[vector<16xi32>, vector<16xi32>], vector<16xf32>,
      %get3A_142 = arith.constant 96 : index
      %get3A_143 = tpu.vector_load %arg9[%get3A_142] {strides = array<i32>} : memref<128xi32, #tpu.memory_space<vmem>>, vector<16xi32>,
      %add3A_144 = arith.constant 96 : i32
      %add3A_145 = vector.broadcast %add3A_144 : i32 to vector<16xi32>
      %add3A_146 = arith.addi %iota3A, %add3A_145 : vector<16xi32>
      tpu.vector_store_idx %arg8[%add3A_146, %get3A_143], %broadcast_in_dim3A_3 : memref<128x128xf32, #tpu.memory_space<vmem>>[vector<16xi32>, vector<16xi32>], vector<16xf32>,
      %get3A_147 = arith.constant 112 : index
      %get3A_148 = tpu.vector_load %arg9[%get3A_147] {strides = array<i32>} : memref<128xi32, #tpu.memory_space<vmem>>, vector<16xi32>,
      %add3A_149 = arith.constant 112 : i32
      %add3A_150 = vector.broadcast %add3A_149 : i32 to vector<16xi32>
      %add3A_151 = arith.addi %iota3A, %add3A_150 : vector<16xi32>
      tpu.vector_store_idx %arg8[%add3A_151, %get3A_148], %broadcast_in_dim3A_3 : memref<128x128xf32, #tpu.memory_space<vmem>>[vector<16xi32>, vector<16xi32>], vector<16xf32>,
      %scan3A_152 = arith.constant 0 : i32
      scf.yield %scan3A_152 : i32
    }
    %scan3A_39 = arith.constant 79 : i32
    %barrier3A_40 = arith.constant 0 : index
    tpu.barrier barrier_id(%barrier3A_40)
    %mul3A_41 = arith.constant 640 : i32
    %mul3A_42 = arith.muli %arg1, %mul3A_41 : i32
    "tpu.region"() ({
      %run_scoped3A = tpu.sem_alloc : memref<!tpu.dma_semaphore, #tpu.memory_space<semaphore_mem>>
      %dma_start3A = arith.constant 0 : i32
      %dma_start3A_43 = tpu.memref_slice %arg4[%arg0, %mul3A_42, %dma_start3A] : memref<2x10240x128xf32, #tpu.memory_space<hbm>> -> memref<1x640x128xf32, #tpu.memory_space<hbm>>
      %dma_start3A_44 = tpu.memref_squeeze %dma_start3A_43 : memref<1x640x128xf32, #tpu.memory_space<hbm>> -> memref<640x128xf32, #tpu.memory_space<hbm>>
      %dma_start3A_45 = arith.constant 0 : i32
      %dma_start3A_46 = tpu.memref_slice %arg11[%mul3A_42, %dma_start3A_45] : memref<10240x128xf32, #tpu.memory_space<vmem_shared>> -> memref<640x128xf32, #tpu.memory_space<vmem_shared>>
      tpu.enqueue_dma source(%dma_start3A_46 : memref<640x128xf32, #tpu.memory_space<vmem_shared>>) target(%dma_start3A_44 : memref<640x128xf32, #tpu.memory_space<hbm>>) target_semaphore(%run_scoped3A : memref<!tpu.dma_semaphore, #tpu.memory_space<semaphore_mem>>)
      %dma_wait3A = arith.constant 0 : i32
      %dma_wait3A_47 = tpu.memref_slice %arg4[%arg0, %mul3A_42, %dma_wait3A] : memref<2x10240x128xf32, #tpu.memory_space<hbm>> -> memref<1x640x128xf32, #tpu.memory_space<hbm>>
      %dma_wait3A_48 = tpu.memref_squeeze %dma_wait3A_47 : memref<1x640x128xf32, #tpu.memory_space<hbm>> -> memref<640x128xf32, #tpu.memory_space<hbm>>
      %dma_wait3A_49 = arith.constant 0 : i32
      %dma_wait3A_50 = tpu.memref_slice %arg11[%mul3A_42, %dma_wait3A_49] : memref<10240x128xf32, #tpu.memory_space<vmem_shared>> -> memref<640x128xf32, #tpu.memory_space<vmem_shared>>
      tpu.wait_dma2 semaphore(%run_scoped3A : memref<!tpu.dma_semaphore, #tpu.memory_space<semaphore_mem>>) src(%dma_wait3A_50 : memref<640x128xf32, #tpu.memory_space<vmem_shared>>) dst(%dma_wait3A_48 : memref<640x128xf32, #tpu.memory_space<hbm>>)
      tpu.yield
    }) : () -> ()
    return
  }
}

#map = affine_map<(d0, d1) -> (0, 0)>
#map1 = affine_map<(d0, d1) -> (0, 0, 0)>
module attributes {stable_mosaic.version = 14 : i64} {
  func.func @_sc_agg_body(%arg0: i32, %arg1: i32, %arg2: memref<10000x128xf32, #tpu.memory_space<hbm>>, %arg3: memref<2x323584xi32, #tpu.memory_space<hbm>>, %arg4: memref<2x10240x128xf32, #tpu.memory_space<hbm>>, %arg5: memref<128xi32, #tpu.memory_space<vmem>>, %arg6: memref<128xi32, #tpu.memory_space<vmem>>, %arg7: memref<128x128xf32, #tpu.memory_space<vmem>>, %arg8: memref<128x128xf32, #tpu.memory_space<vmem>>, %arg9: memref<10240x128xf32, #tpu.memory_space<vmem_shared>>, %arg10: memref<!tpu.dma_semaphore, #tpu.memory_space<semaphore_mem>>) attributes {dimension_semantics = [#tpu.dimension_semantics<core_parallel>, #tpu.dimension_semantics<subcore_parallel>], iteration_bounds = array<i64: 2, 16>, scalar_prefetch = 0 : i64, scratch_operands = 6 : i64, tpu.core_type = #tpu.core_type<sc_vector_subcore>, window_params = [{transform_indices = #map}, {transform_indices = #map}, {transform_indices = #map1}]} {
    %mul3A = arith.constant 16 : i32
    %mul3A_0 = arith.muli %arg0, %mul3A : i32
    %add3A = arith.addi %mul3A_0, %arg1 : i32
    %broadcast_in_dim3A = arith.constant 0.000000e+00 : f32
    %broadcast_in_dim3A_1 = vector.broadcast %broadcast_in_dim3A : f32 to vector<16xf32>
    %scan3A = arith.constant 0 : i32
    %scan3A_2 = arith.constant 0 : i32
    %scan3A_3 = arith.constant 128 : i32
    %scan3A_4 = arith.addi %scan3A_2, %scan3A_3 : i32
    %scan3A_5 = arith.constant 1 : i32
    %scan3A_6 = scf.for %scan3A_30 = %scan3A_2 to %scan3A_4 step %scan3A_5 iter_args(%scan3A_31 = %scan3A) -> (i32)  : i32 {
      %swap3A = arith.index_cast %scan3A_30 : i32 to index
      %swap3A_32 = arith.constant 0 : index
      %swap3A_33 = tpu.vector_load %arg8[%swap3A, %swap3A_32] {strides = array<i32>} : memref<128x128xf32, #tpu.memory_space<vmem>>, vector<16xf32>,
      tpu.vector_store %arg8[%swap3A, %swap3A_32], %broadcast_in_dim3A_1 {strides = array<i32>} : memref<128x128xf32, #tpu.memory_space<vmem>>, vector<16xf32>,
      %swap3A_34 = arith.index_cast %scan3A_30 : i32 to index
      %swap3A_35 = arith.constant 16 : index
      %swap3A_36 = tpu.vector_load %arg8[%swap3A_34, %swap3A_35] {strides = array<i32>} : memref<128x128xf32, #tpu.memory_space<vmem>>, vector<16xf32>,
      tpu.vector_store %arg8[%swap3A_34, %swap3A_35], %broadcast_in_dim3A_1 {strides = array<i32>} : memref<128x128xf32, #tpu.memory_space<vmem>>, vector<16xf32>,
      %swap3A_37 = arith.index_cast %scan3A_30 : i32 to index
      %swap3A_38 = arith.constant 32 : index
      %swap3A_39 = tpu.vector_load %arg8[%swap3A_37, %swap3A_38] {strides = array<i32>} : memref<128x128xf32, #tpu.memory_space<vmem>>, vector<16xf32>,
      tpu.vector_store %arg8[%swap3A_37, %swap3A_38], %broadcast_in_dim3A_1 {strides = array<i32>} : memref<128x128xf32, #tpu.memory_space<vmem>>, vector<16xf32>,
      %swap3A_40 = arith.index_cast %scan3A_30 : i32 to index
      %swap3A_41 = arith.constant 48 : index
      %swap3A_42 = tpu.vector_load %arg8[%swap3A_40, %swap3A_41] {strides = array<i32>} : memref<128x128xf32, #tpu.memory_space<vmem>>, vector<16xf32>,
      tpu.vector_store %arg8[%swap3A_40, %swap3A_41], %broadcast_in_dim3A_1 {strides = array<i32>} : memref<128x128xf32, #tpu.memory_space<vmem>>, vector<16xf32>,
      %swap3A_43 = arith.index_cast %scan3A_30 : i32 to index
      %swap3A_44 = arith.constant 64 : index
      %swap3A_45 = tpu.vector_load %arg8[%swap3A_43, %swap3A_44] {strides = array<i32>} : memref<128x128xf32, #tpu.memory_space<vmem>>, vector<16xf32>,
      tpu.vector_store %arg8[%swap3A_43, %swap3A_44], %broadcast_in_dim3A_1 {strides = array<i32>} : memref<128x128xf32, #tpu.memory_space<vmem>>, vector<16xf32>,
      %swap3A_46 = arith.index_cast %scan3A_30 : i32 to index
      %swap3A_47 = arith.constant 80 : index
      %swap3A_48 = tpu.vector_load %arg8[%swap3A_46, %swap3A_47] {strides = array<i32>} : memref<128x128xf32, #tpu.memory_space<vmem>>, vector<16xf32>,
      tpu.vector_store %arg8[%swap3A_46, %swap3A_47], %broadcast_in_dim3A_1 {strides = array<i32>} : memref<128x128xf32, #tpu.memory_space<vmem>>, vector<16xf32>,
      %swap3A_49 = arith.index_cast %scan3A_30 : i32 to index
      %swap3A_50 = arith.constant 96 : index
      %swap3A_51 = tpu.vector_load %arg8[%swap3A_49, %swap3A_50] {strides = array<i32>} : memref<128x128xf32, #tpu.memory_space<vmem>>, vector<16xf32>,
      tpu.vector_store %arg8[%swap3A_49, %swap3A_50], %broadcast_in_dim3A_1 {strides = array<i32>} : memref<128x128xf32, #tpu.memory_space<vmem>>, vector<16xf32>,
      %swap3A_52 = arith.index_cast %scan3A_30 : i32 to index
      %swap3A_53 = arith.constant 112 : index
      %swap3A_54 = tpu.vector_load %arg8[%swap3A_52, %swap3A_53] {strides = array<i32>} : memref<128x128xf32, #tpu.memory_space<vmem>>, vector<16xf32>,
      tpu.vector_store %arg8[%swap3A_52, %swap3A_53], %broadcast_in_dim3A_1 {strides = array<i32>} : memref<128x128xf32, #tpu.memory_space<vmem>>, vector<16xf32>,
      %scan3A_55 = arith.constant 0 : i32
      scf.yield %scan3A_55 : i32
    }
    %scan3A_7 = arith.constant 128 : i32
    %mul3A_8 = arith.constant 640 : i32
    %mul3A_9 = arith.muli %arg1, %mul3A_8 : i32
    %add3A_10 = arith.constant 0 : i32
    %add3A_11 = arith.addi %mul3A_9, %add3A_10 : i32
    "tpu.region"() ({
      %run_scoped3A = tpu.sem_alloc : memref<!tpu.dma_semaphore, #tpu.memory_space<semaphore_mem>>
      %dma_start3A = arith.constant 0 : i32
      %dma_start3A_30 = arith.constant 0 : i32
      %dma_start3A_31 = tpu.memref_slice %arg8[%dma_start3A, %dma_start3A_30] : memref<128x128xf32, #tpu.memory_space<vmem>> -> memref<128x128xf32, #tpu.memory_space<vmem>>
      %dma_start3A_32 = arith.constant 0 : i32
      %dma_start3A_33 = tpu.memref_slice %arg9[%add3A_11, %dma_start3A_32] : memref<10240x128xf32, #tpu.memory_space<vmem_shared>> -> memref<128x128xf32, #tpu.memory_space<vmem_shared>>
      %dma_start3A_34 = arith.constant 0 : i32
      %dma_start3A_35 = tpu.memref_slice %arg9[%add3A_11, %dma_start3A_34] : memref<10240x128xf32, #tpu.memory_space<vmem_shared>> -> memref<128x128xf32, #tpu.memory_space<vmem_shared>>
      %dma_start3A_36 = arith.constant 0 : i32
      %dma_start3A_37 = arith.constant 0 : i32
      %dma_start3A_38 = tpu.memref_slice %arg8[%dma_start3A_36, %dma_start3A_37] : memref<128x128xf32, #tpu.memory_space<vmem>> -> memref<128x128xf32, #tpu.memory_space<vmem>>
      tpu.enqueue_dma source(%dma_start3A_38 : memref<128x128xf32, #tpu.memory_space<vmem>>) target(%dma_start3A_35 : memref<128x128xf32, #tpu.memory_space<vmem_shared>>) target_semaphore(%run_scoped3A : memref<!tpu.dma_semaphore, #tpu.memory_space<semaphore_mem>>)
      %dma_wait3A = arith.constant 0 : i32
      %dma_wait3A_39 = arith.constant 0 : i32
      %dma_wait3A_40 = tpu.memref_slice %arg8[%dma_wait3A, %dma_wait3A_39] : memref<128x128xf32, #tpu.memory_space<vmem>> -> memref<128x128xf32, #tpu.memory_space<vmem>>
      %dma_wait3A_41 = arith.constant 0 : i32
      %dma_wait3A_42 = tpu.memref_slice %arg9[%add3A_11, %dma_wait3A_41] : memref<10240x128xf32, #tpu.memory_space<vmem_shared>> -> memref<128x128xf32, #tpu.memory_space<vmem_shared>>
      %dma_wait3A_43 = arith.constant 0 : i32
      %dma_wait3A_44 = tpu.memref_slice %arg9[%add3A_11, %dma_wait3A_43] : memref<10240x128xf32, #tpu.memory_space<vmem_shared>> -> memref<128x128xf32, #tpu.memory_space<vmem_shared>>
      %dma_wait3A_45 = arith.constant 0 : i32
      %dma_wait3A_46 = arith.constant 0 : i32
      %dma_wait3A_47 = tpu.memref_slice %arg8[%dma_wait3A_45, %dma_wait3A_46] : memref<128x128xf32, #tpu.memory_space<vmem>> -> memref<128x128xf32, #tpu.memory_space<vmem>>
      tpu.wait_dma2 semaphore(%run_scoped3A : memref<!tpu.dma_semaphore, #tpu.memory_space<semaphore_mem>>) src(%dma_wait3A_47 : memref<128x128xf32, #tpu.memory_space<vmem>>) dst(%dma_wait3A_44 : memref<128x128xf32, #tpu.memory_space<vmem_shared>>)
      tpu.yield
    }) : () -> ()
    %add3A_12 = arith.constant 128 : i32
    %add3A_13 = arith.addi %mul3A_9, %add3A_12 : i32
    "tpu.region"() ({
      %run_scoped3A = tpu.sem_alloc : memref<!tpu.dma_semaphore, #tpu.memory_space<semaphore_mem>>
      %dma_start3A = arith.constant 0 : i32
      %dma_start3A_30 = arith.constant 0 : i32
      %dma_start3A_31 = tpu.memref_slice %arg8[%dma_start3A, %dma_start3A_30] : memref<128x128xf32, #tpu.memory_space<vmem>> -> memref<128x128xf32, #tpu.memory_space<vmem>>
      %dma_start3A_32 = arith.constant 0 : i32
      %dma_start3A_33 = tpu.memref_slice %arg9[%add3A_13, %dma_start3A_32] : memref<10240x128xf32, #tpu.memory_space<vmem_shared>> -> memref<128x128xf32, #tpu.memory_space<vmem_shared>>
      %dma_start3A_34 = arith.constant 0 : i32
      %dma_start3A_35 = tpu.memref_slice %arg9[%add3A_13, %dma_start3A_34] : memref<10240x128xf32, #tpu.memory_space<vmem_shared>> -> memref<128x128xf32, #tpu.memory_space<vmem_shared>>
      %dma_start3A_36 = arith.constant 0 : i32
      %dma_start3A_37 = arith.constant 0 : i32
      %dma_start3A_38 = tpu.memref_slice %arg8[%dma_start3A_36, %dma_start3A_37] : memref<128x128xf32, #tpu.memory_space<vmem>> -> memref<128x128xf32, #tpu.memory_space<vmem>>
      tpu.enqueue_dma source(%dma_start3A_38 : memref<128x128xf32, #tpu.memory_space<vmem>>) target(%dma_start3A_35 : memref<128x128xf32, #tpu.memory_space<vmem_shared>>) target_semaphore(%run_scoped3A : memref<!tpu.dma_semaphore, #tpu.memory_space<semaphore_mem>>)
      %dma_wait3A = arith.constant 0 : i32
      %dma_wait3A_39 = arith.constant 0 : i32
      %dma_wait3A_40 = tpu.memref_slice %arg8[%dma_wait3A, %dma_wait3A_39] : memref<128x128xf32, #tpu.memory_space<vmem>> -> memref<128x128xf32, #tpu.memory_space<vmem>>
      %dma_wait3A_41 = arith.constant 0 : i32
      %dma_wait3A_42 = tpu.memref_slice %arg9[%add3A_13, %dma_wait3A_41] : memref<10240x128xf32, #tpu.memory_space<vmem_shared>> -> memref<128x128xf32, #tpu.memory_space<vmem_shared>>
      %dma_wait3A_43 = arith.constant 0 : i32
      %dma_wait3A_44 = tpu.memref_slice %arg9[%add3A_13, %dma_wait3A_43] : memref<10240x128xf32, #tpu.memory_space<vmem_shared>> -> memref<128x128xf32, #tpu.memory_space<vmem_shared>>
      %dma_wait3A_45 = arith.constant 0 : i32
      %dma_wait3A_46 = arith.constant 0 : i32
      %dma_wait3A_47 = tpu.memref_slice %arg8[%dma_wait3A_45, %dma_wait3A_46] : memref<128x128xf32, #tpu.memory_space<vmem>> -> memref<128x128xf32, #tpu.memory_space<vmem>>
      tpu.wait_dma2 semaphore(%run_scoped3A : memref<!tpu.dma_semaphore, #tpu.memory_space<semaphore_mem>>) src(%dma_wait3A_47 : memref<128x128xf32, #tpu.memory_space<vmem>>) dst(%dma_wait3A_44 : memref<128x128xf32, #tpu.memory_space<vmem_shared>>)
      tpu.yield
    }) : () -> ()
    %add3A_14 = arith.constant 256 : i32
    %add3A_15 = arith.addi %mul3A_9, %add3A_14 : i32
    "tpu.region"() ({
      %run_scoped3A = tpu.sem_alloc : memref<!tpu.dma_semaphore, #tpu.memory_space<semaphore_mem>>
      %dma_start3A = arith.constant 0 : i32
      %dma_start3A_30 = arith.constant 0 : i32
      %dma_start3A_31 = tpu.memref_slice %arg8[%dma_start3A, %dma_start3A_30] : memref<128x128xf32, #tpu.memory_space<vmem>> -> memref<128x128xf32, #tpu.memory_space<vmem>>
      %dma_start3A_32 = arith.constant 0 : i32
      %dma_start3A_33 = tpu.memref_slice %arg9[%add3A_15, %dma_start3A_32] : memref<10240x128xf32, #tpu.memory_space<vmem_shared>> -> memref<128x128xf32, #tpu.memory_space<vmem_shared>>
      %dma_start3A_34 = arith.constant 0 : i32
      %dma_start3A_35 = tpu.memref_slice %arg9[%add3A_15, %dma_start3A_34] : memref<10240x128xf32, #tpu.memory_space<vmem_shared>> -> memref<128x128xf32, #tpu.memory_space<vmem_shared>>
      %dma_start3A_36 = arith.constant 0 : i32
      %dma_start3A_37 = arith.constant 0 : i32
      %dma_start3A_38 = tpu.memref_slice %arg8[%dma_start3A_36, %dma_start3A_37] : memref<128x128xf32, #tpu.memory_space<vmem>> -> memref<128x128xf32, #tpu.memory_space<vmem>>
      tpu.enqueue_dma source(%dma_start3A_38 : memref<128x128xf32, #tpu.memory_space<vmem>>) target(%dma_start3A_35 : memref<128x128xf32, #tpu.memory_space<vmem_shared>>) target_semaphore(%run_scoped3A : memref<!tpu.dma_semaphore, #tpu.memory_space<semaphore_mem>>)
      %dma_wait3A = arith.constant 0 : i32
      %dma_wait3A_39 = arith.constant 0 : i32
      %dma_wait3A_40 = tpu.memref_slice %arg8[%dma_wait3A, %dma_wait3A_39] : memref<128x128xf32, #tpu.memory_space<vmem>> -> memref<128x128xf32, #tpu.memory_space<vmem>>
      %dma_wait3A_41 = arith.constant 0 : i32
      %dma_wait3A_42 = tpu.memref_slice %arg9[%add3A_15, %dma_wait3A_41] : memref<10240x128xf32, #tpu.memory_space<vmem_shared>> -> memref<128x128xf32, #tpu.memory_space<vmem_shared>>
      %dma_wait3A_43 = arith.constant 0 : i32
      %dma_wait3A_44 = tpu.memref_slice %arg9[%add3A_15, %dma_wait3A_43] : memref<10240x128xf32, #tpu.memory_space<vmem_shared>> -> memref<128x128xf32, #tpu.memory_space<vmem_shared>>
      %dma_wait3A_45 = arith.constant 0 : i32
      %dma_wait3A_46 = arith.constant 0 : i32
      %dma_wait3A_47 = tpu.memref_slice %arg8[%dma_wait3A_45, %dma_wait3A_46] : memref<128x128xf32, #tpu.memory_space<vmem>> -> memref<128x128xf32, #tpu.memory_space<vmem>>
      tpu.wait_dma2 semaphore(%run_scoped3A : memref<!tpu.dma_semaphore, #tpu.memory_space<semaphore_mem>>) src(%dma_wait3A_47 : memref<128x128xf32, #tpu.memory_space<vmem>>) dst(%dma_wait3A_44 : memref<128x128xf32, #tpu.memory_space<vmem_shared>>)
      tpu.yield
    }) : () -> ()
    %add3A_16 = arith.constant 384 : i32
    %add3A_17 = arith.addi %mul3A_9, %add3A_16 : i32
    "tpu.region"() ({
      %run_scoped3A = tpu.sem_alloc : memref<!tpu.dma_semaphore, #tpu.memory_space<semaphore_mem>>
      %dma_start3A = arith.constant 0 : i32
      %dma_start3A_30 = arith.constant 0 : i32
      %dma_start3A_31 = tpu.memref_slice %arg8[%dma_start3A, %dma_start3A_30] : memref<128x128xf32, #tpu.memory_space<vmem>> -> memref<128x128xf32, #tpu.memory_space<vmem>>
      %dma_start3A_32 = arith.constant 0 : i32
      %dma_start3A_33 = tpu.memref_slice %arg9[%add3A_17, %dma_start3A_32] : memref<10240x128xf32, #tpu.memory_space<vmem_shared>> -> memref<128x128xf32, #tpu.memory_space<vmem_shared>>
      %dma_start3A_34 = arith.constant 0 : i32
      %dma_start3A_35 = tpu.memref_slice %arg9[%add3A_17, %dma_start3A_34] : memref<10240x128xf32, #tpu.memory_space<vmem_shared>> -> memref<128x128xf32, #tpu.memory_space<vmem_shared>>
      %dma_start3A_36 = arith.constant 0 : i32
      %dma_start3A_37 = arith.constant 0 : i32
      %dma_start3A_38 = tpu.memref_slice %arg8[%dma_start3A_36, %dma_start3A_37] : memref<128x128xf32, #tpu.memory_space<vmem>> -> memref<128x128xf32, #tpu.memory_space<vmem>>
      tpu.enqueue_dma source(%dma_start3A_38 : memref<128x128xf32, #tpu.memory_space<vmem>>) target(%dma_start3A_35 : memref<128x128xf32, #tpu.memory_space<vmem_shared>>) target_semaphore(%run_scoped3A : memref<!tpu.dma_semaphore, #tpu.memory_space<semaphore_mem>>)
      %dma_wait3A = arith.constant 0 : i32
      %dma_wait3A_39 = arith.constant 0 : i32
      %dma_wait3A_40 = tpu.memref_slice %arg8[%dma_wait3A, %dma_wait3A_39] : memref<128x128xf32, #tpu.memory_space<vmem>> -> memref<128x128xf32, #tpu.memory_space<vmem>>
      %dma_wait3A_41 = arith.constant 0 : i32
      %dma_wait3A_42 = tpu.memref_slice %arg9[%add3A_17, %dma_wait3A_41] : memref<10240x128xf32, #tpu.memory_space<vmem_shared>> -> memref<128x128xf32, #tpu.memory_space<vmem_shared>>
      %dma_wait3A_43 = arith.constant 0 : i32
      %dma_wait3A_44 = tpu.memref_slice %arg9[%add3A_17, %dma_wait3A_43] : memref<10240x128xf32, #tpu.memory_space<vmem_shared>> -> memref<128x128xf32, #tpu.memory_space<vmem_shared>>
      %dma_wait3A_45 = arith.constant 0 : i32
      %dma_wait3A_46 = arith.constant 0 : i32
      %dma_wait3A_47 = tpu.memref_slice %arg8[%dma_wait3A_45, %dma_wait3A_46] : memref<128x128xf32, #tpu.memory_space<vmem>> -> memref<128x128xf32, #tpu.memory_space<vmem>>
      tpu.wait_dma2 semaphore(%run_scoped3A : memref<!tpu.dma_semaphore, #tpu.memory_space<semaphore_mem>>) src(%dma_wait3A_47 : memref<128x128xf32, #tpu.memory_space<vmem>>) dst(%dma_wait3A_44 : memref<128x128xf32, #tpu.memory_space<vmem_shared>>)
      tpu.yield
    }) : () -> ()
    %add3A_18 = arith.constant 512 : i32
    %add3A_19 = arith.addi %mul3A_9, %add3A_18 : i32
    "tpu.region"() ({
      %run_scoped3A = tpu.sem_alloc : memref<!tpu.dma_semaphore, #tpu.memory_space<semaphore_mem>>
      %dma_start3A = arith.constant 0 : i32
      %dma_start3A_30 = arith.constant 0 : i32
      %dma_start3A_31 = tpu.memref_slice %arg8[%dma_start3A, %dma_start3A_30] : memref<128x128xf32, #tpu.memory_space<vmem>> -> memref<128x128xf32, #tpu.memory_space<vmem>>
      %dma_start3A_32 = arith.constant 0 : i32
      %dma_start3A_33 = tpu.memref_slice %arg9[%add3A_19, %dma_start3A_32] : memref<10240x128xf32, #tpu.memory_space<vmem_shared>> -> memref<128x128xf32, #tpu.memory_space<vmem_shared>>
      %dma_start3A_34 = arith.constant 0 : i32
      %dma_start3A_35 = tpu.memref_slice %arg9[%add3A_19, %dma_start3A_34] : memref<10240x128xf32, #tpu.memory_space<vmem_shared>> -> memref<128x128xf32, #tpu.memory_space<vmem_shared>>
      %dma_start3A_36 = arith.constant 0 : i32
      %dma_start3A_37 = arith.constant 0 : i32
      %dma_start3A_38 = tpu.memref_slice %arg8[%dma_start3A_36, %dma_start3A_37] : memref<128x128xf32, #tpu.memory_space<vmem>> -> memref<128x128xf32, #tpu.memory_space<vmem>>
      tpu.enqueue_dma source(%dma_start3A_38 : memref<128x128xf32, #tpu.memory_space<vmem>>) target(%dma_start3A_35 : memref<128x128xf32, #tpu.memory_space<vmem_shared>>) target_semaphore(%run_scoped3A : memref<!tpu.dma_semaphore, #tpu.memory_space<semaphore_mem>>)
      %dma_wait3A = arith.constant 0 : i32
      %dma_wait3A_39 = arith.constant 0 : i32
      %dma_wait3A_40 = tpu.memref_slice %arg8[%dma_wait3A, %dma_wait3A_39] : memref<128x128xf32, #tpu.memory_space<vmem>> -> memref<128x128xf32, #tpu.memory_space<vmem>>
      %dma_wait3A_41 = arith.constant 0 : i32
      %dma_wait3A_42 = tpu.memref_slice %arg9[%add3A_19, %dma_wait3A_41] : memref<10240x128xf32, #tpu.memory_space<vmem_shared>> -> memref<128x128xf32, #tpu.memory_space<vmem_shared>>
      %dma_wait3A_43 = arith.constant 0 : i32
      %dma_wait3A_44 = tpu.memref_slice %arg9[%add3A_19, %dma_wait3A_43] : memref<10240x128xf32, #tpu.memory_space<vmem_shared>> -> memref<128x128xf32, #tpu.memory_space<vmem_shared>>
      %dma_wait3A_45 = arith.constant 0 : i32
      %dma_wait3A_46 = arith.constant 0 : i32
      %dma_wait3A_47 = tpu.memref_slice %arg8[%dma_wait3A_45, %dma_wait3A_46] : memref<128x128xf32, #tpu.memory_space<vmem>> -> memref<128x128xf32, #tpu.memory_space<vmem>>
      tpu.wait_dma2 semaphore(%run_scoped3A : memref<!tpu.dma_semaphore, #tpu.memory_space<semaphore_mem>>) src(%dma_wait3A_47 : memref<128x128xf32, #tpu.memory_space<vmem>>) dst(%dma_wait3A_44 : memref<128x128xf32, #tpu.memory_space<vmem_shared>>)
      tpu.yield
    }) : () -> ()
    %barrier3A = arith.constant 0 : index
    tpu.barrier barrier_id(%barrier3A)
    %scan3A_20 = arith.constant 0 : i32
    %scan3A_21 = arith.constant 0 : i32
    %scan3A_22 = arith.constant 79 : i32
    %scan3A_23 = arith.addi %scan3A_21, %scan3A_22 : i32
    %scan3A_24 = arith.constant 1 : i32
    %scan3A_25 = scf.for %scan3A_30 = %scan3A_21 to %scan3A_23 step %scan3A_24 iter_args(%scan3A_31 = %scan3A_20) -> (i32)  : i32 {
      %mul3A_32 = arith.constant 79 : i32
      %mul3A_33 = arith.muli %add3A, %mul3A_32 : i32
      %add3A_34 = arith.addi %mul3A_33, %scan3A_30 : i32
      %mul3A_35 = arith.constant 128 : i32
      %mul3A_36 = arith.muli %add3A_34, %mul3A_35 : i32
      %run_scoped3A = arith.constant 0 : i32
      "tpu.region"() ({
        %run_scoped3A_43 = tpu.sem_alloc : memref<!tpu.dma_semaphore, #tpu.memory_space<semaphore_mem>>
        %dma_start3A_44 = tpu.memref_slice %arg3[%run_scoped3A, %mul3A_36] : memref<2x323584xi32, #tpu.memory_space<hbm>> -> memref<1x128xi32, #tpu.memory_space<hbm>>
        %dma_start3A_45 = tpu.memref_squeeze %dma_start3A_44 : memref<1x128xi32, #tpu.memory_space<hbm>> -> memref<128xi32, #tpu.memory_space<hbm>>
        %dma_start3A_46 = tpu.memref_slice %arg3[%run_scoped3A, %mul3A_36] : memref<2x323584xi32, #tpu.memory_space<hbm>> -> memref<1x128xi32, #tpu.memory_space<hbm>>
        %dma_start3A_47 = tpu.memref_squeeze %dma_start3A_46 : memref<1x128xi32, #tpu.memory_space<hbm>> -> memref<128xi32, #tpu.memory_space<hbm>>
        tpu.enqueue_dma source(%dma_start3A_47 : memref<128xi32, #tpu.memory_space<hbm>>) target(%arg5 : memref<128xi32, #tpu.memory_space<vmem>>) target_semaphore(%run_scoped3A_43 : memref<!tpu.dma_semaphore, #tpu.memory_space<semaphore_mem>>)
        %dma_wait3A_48 = tpu.memref_slice %arg3[%run_scoped3A, %mul3A_36] : memref<2x323584xi32, #tpu.memory_space<hbm>> -> memref<1x128xi32, #tpu.memory_space<hbm>>
        %dma_wait3A_49 = tpu.memref_squeeze %dma_wait3A_48 : memref<1x128xi32, #tpu.memory_space<hbm>> -> memref<128xi32, #tpu.memory_space<hbm>>
        %dma_wait3A_50 = tpu.memref_slice %arg3[%run_scoped3A, %mul3A_36] : memref<2x323584xi32, #tpu.memory_space<hbm>> -> memref<1x128xi32, #tpu.memory_space<hbm>>
        %dma_wait3A_51 = tpu.memref_squeeze %dma_wait3A_50 : memref<1x128xi32, #tpu.memory_space<hbm>> -> memref<128xi32, #tpu.memory_space<hbm>>
        tpu.wait_dma2 semaphore(%run_scoped3A_43 : memref<!tpu.dma_semaphore, #tpu.memory_space<semaphore_mem>>) src(%dma_wait3A_51 : memref<128xi32, #tpu.memory_space<hbm>>) dst(%arg5 : memref<128xi32, #tpu.memory_space<vmem>>)
        tpu.yield
      }) : () -> ()
      %run_scoped3A_37 = arith.constant 1 : i32
      "tpu.region"() ({
        %run_scoped3A_43 = tpu.sem_alloc : memref<!tpu.dma_semaphore, #tpu.memory_space<semaphore_mem>>
        %dma_start3A_44 = tpu.memref_slice %arg3[%run_scoped3A_37, %mul3A_36] : memref<2x323584xi32, #tpu.memory_space<hbm>> -> memref<1x128xi32, #tpu.memory_space<hbm>>
        %dma_start3A_45 = tpu.memref_squeeze %dma_start3A_44 : memref<1x128xi32, #tpu.memory_space<hbm>> -> memref<128xi32, #tpu.memory_space<hbm>>
        %dma_start3A_46 = tpu.memref_slice %arg3[%run_scoped3A_37, %mul3A_36] : memref<2x323584xi32, #tpu.memory_space<hbm>> -> memref<1x128xi32, #tpu.memory_space<hbm>>
        %dma_start3A_47 = tpu.memref_squeeze %dma_start3A_46 : memref<1x128xi32, #tpu.memory_space<hbm>> -> memref<128xi32, #tpu.memory_space<hbm>>
        tpu.enqueue_dma source(%dma_start3A_47 : memref<128xi32, #tpu.memory_space<hbm>>) target(%arg6 : memref<128xi32, #tpu.memory_space<vmem>>) target_semaphore(%run_scoped3A_43 : memref<!tpu.dma_semaphore, #tpu.memory_space<semaphore_mem>>)
        %dma_wait3A_48 = tpu.memref_slice %arg3[%run_scoped3A_37, %mul3A_36] : memref<2x323584xi32, #tpu.memory_space<hbm>> -> memref<1x128xi32, #tpu.memory_space<hbm>>
        %dma_wait3A_49 = tpu.memref_squeeze %dma_wait3A_48 : memref<1x128xi32, #tpu.memory_space<hbm>> -> memref<128xi32, #tpu.memory_space<hbm>>
        %dma_wait3A_50 = tpu.memref_slice %arg3[%run_scoped3A_37, %mul3A_36] : memref<2x323584xi32, #tpu.memory_space<hbm>> -> memref<1x128xi32, #tpu.memory_space<hbm>>
        %dma_wait3A_51 = tpu.memref_squeeze %dma_wait3A_50 : memref<1x128xi32, #tpu.memory_space<hbm>> -> memref<128xi32, #tpu.memory_space<hbm>>
        tpu.wait_dma2 semaphore(%run_scoped3A_43 : memref<!tpu.dma_semaphore, #tpu.memory_space<semaphore_mem>>) src(%dma_wait3A_51 : memref<128xi32, #tpu.memory_space<hbm>>) dst(%arg6 : memref<128xi32, #tpu.memory_space<vmem>>)
        tpu.yield
      }) : () -> ()
      %dma_start3A = arith.constant 0 : i32
      %dma_start3A_38 = arith.constant 0 : i32
      %dma_start3A_39 = tpu.memref_slice %arg2[%dma_start3A, %dma_start3A_38] : memref<10000x128xf32, #tpu.memory_space<hbm>> -> memref<10000x128xf32, #tpu.memory_space<hbm>>
      tpu.enqueue_indirect_dma source(%dma_start3A_39 : memref<10000x128xf32, #tpu.memory_space<hbm>>) target(%arg7 : memref<128x128xf32, #tpu.memory_space<vmem>>) offsets(%arg5 : memref<128xi32, #tpu.memory_space<vmem>>) semaphore(%arg10 : memref<!tpu.dma_semaphore, #tpu.memory_space<semaphore_mem>>)
      %dma_wait3A = arith.constant 0 : i32
      %dma_wait3A_40 = arith.constant 0 : i32
      %dma_wait3A_41 = tpu.memref_slice %arg2[%dma_wait3A, %dma_wait3A_40] : memref<10000x128xf32, #tpu.memory_space<hbm>> -> memref<10000x128xf32, #tpu.memory_space<hbm>>
      tpu.wait_indirect_dma semaphore(%arg10 : memref<!tpu.dma_semaphore, #tpu.memory_space<semaphore_mem>>) src(%dma_wait3A_41 : memref<10000x128xf32, #tpu.memory_space<hbm>>) dst(%arg7 : memref<128x128xf32, #tpu.memory_space<vmem>>)
      "tpu.region"() ({
        %run_scoped3A_43 = tpu.sem_alloc : memref<!tpu.dma_semaphore, #tpu.memory_space<semaphore_mem>>
        %dma_start3A_44 = arith.constant 0 : i32
        %dma_start3A_45 = arith.constant 0 : i32
        %dma_start3A_46 = tpu.memref_slice %arg9[%dma_start3A_44, %dma_start3A_45] : memref<10240x128xf32, #tpu.memory_space<vmem_shared>> -> memref<10240x128xf32, #tpu.memory_space<vmem_shared>>
        tpu.enqueue_indirect_dma source(%arg7 : memref<128x128xf32, #tpu.memory_space<vmem>>) target(%dma_start3A_46 : memref<10240x128xf32, #tpu.memory_space<vmem_shared>>) offsets(%arg6 : memref<128xi32, #tpu.memory_space<vmem>>) semaphore(%run_scoped3A_43 : memref<!tpu.dma_semaphore, #tpu.memory_space<semaphore_mem>>) {add = true}
        %dma_wait3A_47 = arith.constant 0 : i32
        %dma_wait3A_48 = arith.constant 0 : i32
        %dma_wait3A_49 = tpu.memref_slice %arg9[%dma_wait3A_47, %dma_wait3A_48] : memref<10240x128xf32, #tpu.memory_space<vmem_shared>> -> memref<10240x128xf32, #tpu.memory_space<vmem_shared>>
        tpu.wait_indirect_dma semaphore(%run_scoped3A_43 : memref<!tpu.dma_semaphore, #tpu.memory_space<semaphore_mem>>) src(%arg7 : memref<128x128xf32, #tpu.memory_space<vmem>>) dst(%dma_wait3A_49 : memref<10240x128xf32, #tpu.memory_space<vmem_shared>>)
        tpu.yield
      }) : () -> ()
      %scan3A_42 = arith.constant 0 : i32
      scf.yield %scan3A_42 : i32
    }
    %scan3A_26 = arith.constant 79 : i32
    %barrier3A_27 = arith.constant 0 : index
    tpu.barrier barrier_id(%barrier3A_27)
    %mul3A_28 = arith.constant 640 : i32
    %mul3A_29 = arith.muli %arg1, %mul3A_28 : i32
    "tpu.region"() ({
      %run_scoped3A = tpu.sem_alloc : memref<!tpu.dma_semaphore, #tpu.memory_space<semaphore_mem>>
      %dma_start3A = arith.constant 0 : i32
      %dma_start3A_30 = tpu.memref_slice %arg4[%arg0, %mul3A_29, %dma_start3A] : memref<2x10240x128xf32, #tpu.memory_space<hbm>> -> memref<1x640x128xf32, #tpu.memory_space<hbm>>
      %dma_start3A_31 = tpu.memref_squeeze %dma_start3A_30 : memref<1x640x128xf32, #tpu.memory_space<hbm>> -> memref<640x128xf32, #tpu.memory_space<hbm>>
      %dma_start3A_32 = arith.constant 0 : i32
      %dma_start3A_33 = tpu.memref_slice %arg9[%mul3A_29, %dma_start3A_32] : memref<10240x128xf32, #tpu.memory_space<vmem_shared>> -> memref<640x128xf32, #tpu.memory_space<vmem_shared>>
      tpu.enqueue_dma source(%dma_start3A_33 : memref<640x128xf32, #tpu.memory_space<vmem_shared>>) target(%dma_start3A_31 : memref<640x128xf32, #tpu.memory_space<hbm>>) target_semaphore(%run_scoped3A : memref<!tpu.dma_semaphore, #tpu.memory_space<semaphore_mem>>)
      %dma_wait3A = arith.constant 0 : i32
      %dma_wait3A_34 = tpu.memref_slice %arg4[%arg0, %mul3A_29, %dma_wait3A] : memref<2x10240x128xf32, #tpu.memory_space<hbm>> -> memref<1x640x128xf32, #tpu.memory_space<hbm>>
      %dma_wait3A_35 = tpu.memref_squeeze %dma_wait3A_34 : memref<1x640x128xf32, #tpu.memory_space<hbm>> -> memref<640x128xf32, #tpu.memory_space<hbm>>
      %dma_wait3A_36 = arith.constant 0 : i32
      %dma_wait3A_37 = tpu.memref_slice %arg9[%mul3A_29, %dma_wait3A_36] : memref<10240x128xf32, #tpu.memory_space<vmem_shared>> -> memref<640x128xf32, #tpu.memory_space<vmem_shared>>
      tpu.wait_dma2 semaphore(%run_scoped3A : memref<!tpu.dma_semaphore, #tpu.memory_space<semaphore_mem>>) src(%dma_wait3A_37 : memref<640x128xf32, #tpu.memory_space<vmem_shared>>) dst(%dma_wait3A_35 : memref<640x128xf32, #tpu.memory_space<hbm>>)
      tpu.yield
    }) : () -> ()
    return
  }
}

#map = affine_map<(d0, d1) -> (0, 0)>
#map1 = affine_map<(d0, d1) -> (0, 0, 0)>
module attributes {stable_mosaic.version = 14 : i64} {
  func.func @_sc_agg_body(%arg0: i32, %arg1: i32, %arg2: memref<10000x128xf32, #tpu.memory_space<hbm>>, %arg3: memref<2x323584xi32, #tpu.memory_space<hbm>>, %arg4: memref<2x10240x128xf32, #tpu.memory_space<hbm>>, %arg5: memref<128xi32, #tpu.memory_space<vmem>>, %arg6: memref<128xi32, #tpu.memory_space<vmem>>, %arg7: memref<128x128xf32, #tpu.memory_space<vmem>>, %arg8: memref<128x128xf32, #tpu.memory_space<vmem>>, %arg9: memref<10240x128xf32, #tpu.memory_space<vmem_shared>>, %arg10: memref<!tpu.dma_semaphore, #tpu.memory_space<semaphore_mem>>) attributes {dimension_semantics = [#tpu.dimension_semantics<core_parallel>, #tpu.dimension_semantics<subcore_parallel>], iteration_bounds = array<i64: 2, 16>, scalar_prefetch = 0 : i64, scratch_operands = 6 : i64, tpu.core_type = #tpu.core_type<sc_vector_subcore>, window_params = [{transform_indices = #map}, {transform_indices = #map}, {transform_indices = #map1}]} {
    %mul3A = arith.constant 16 : i32
    %mul3A_0 = arith.muli %arg0, %mul3A : i32
    %add3A = arith.addi %mul3A_0, %arg1 : i32
    %broadcast_in_dim3A = arith.constant 0.000000e+00 : f32
    %broadcast_in_dim3A_1 = vector.broadcast %broadcast_in_dim3A : f32 to vector<16xf32>
    %scan3A = arith.constant 0 : i32
    %scan3A_2 = arith.constant 0 : i32
    %scan3A_3 = arith.constant 128 : i32
    %scan3A_4 = arith.addi %scan3A_2, %scan3A_3 : i32
    %scan3A_5 = arith.constant 1 : i32
    %scan3A_6 = scf.for %scan3A_30 = %scan3A_2 to %scan3A_4 step %scan3A_5 iter_args(%scan3A_31 = %scan3A) -> (i32)  : i32 {
      %swap3A = arith.index_cast %scan3A_30 : i32 to index
      %swap3A_32 = arith.constant 0 : index
      %swap3A_33 = tpu.vector_load %arg8[%swap3A, %swap3A_32] {strides = array<i32>} : memref<128x128xf32, #tpu.memory_space<vmem>>, vector<16xf32>,
      tpu.vector_store %arg8[%swap3A, %swap3A_32], %broadcast_in_dim3A_1 {strides = array<i32>} : memref<128x128xf32, #tpu.memory_space<vmem>>, vector<16xf32>,
      %swap3A_34 = arith.index_cast %scan3A_30 : i32 to index
      %swap3A_35 = arith.constant 16 : index
      %swap3A_36 = tpu.vector_load %arg8[%swap3A_34, %swap3A_35] {strides = array<i32>} : memref<128x128xf32, #tpu.memory_space<vmem>>, vector<16xf32>,
      tpu.vector_store %arg8[%swap3A_34, %swap3A_35], %broadcast_in_dim3A_1 {strides = array<i32>} : memref<128x128xf32, #tpu.memory_space<vmem>>, vector<16xf32>,
      %swap3A_37 = arith.index_cast %scan3A_30 : i32 to index
      %swap3A_38 = arith.constant 32 : index
      %swap3A_39 = tpu.vector_load %arg8[%swap3A_37, %swap3A_38] {strides = array<i32>} : memref<128x128xf32, #tpu.memory_space<vmem>>, vector<16xf32>,
      tpu.vector_store %arg8[%swap3A_37, %swap3A_38], %broadcast_in_dim3A_1 {strides = array<i32>} : memref<128x128xf32, #tpu.memory_space<vmem>>, vector<16xf32>,
      %swap3A_40 = arith.index_cast %scan3A_30 : i32 to index
      %swap3A_41 = arith.constant 48 : index
      %swap3A_42 = tpu.vector_load %arg8[%swap3A_40, %swap3A_41] {strides = array<i32>} : memref<128x128xf32, #tpu.memory_space<vmem>>, vector<16xf32>,
      tpu.vector_store %arg8[%swap3A_40, %swap3A_41], %broadcast_in_dim3A_1 {strides = array<i32>} : memref<128x128xf32, #tpu.memory_space<vmem>>, vector<16xf32>,
      %swap3A_43 = arith.index_cast %scan3A_30 : i32 to index
      %swap3A_44 = arith.constant 64 : index
      %swap3A_45 = tpu.vector_load %arg8[%swap3A_43, %swap3A_44] {strides = array<i32>} : memref<128x128xf32, #tpu.memory_space<vmem>>, vector<16xf32>,
      tpu.vector_store %arg8[%swap3A_43, %swap3A_44], %broadcast_in_dim3A_1 {strides = array<i32>} : memref<128x128xf32, #tpu.memory_space<vmem>>, vector<16xf32>,
      %swap3A_46 = arith.index_cast %scan3A_30 : i32 to index
      %swap3A_47 = arith.constant 80 : index
      %swap3A_48 = tpu.vector_load %arg8[%swap3A_46, %swap3A_47] {strides = array<i32>} : memref<128x128xf32, #tpu.memory_space<vmem>>, vector<16xf32>,
      tpu.vector_store %arg8[%swap3A_46, %swap3A_47], %broadcast_in_dim3A_1 {strides = array<i32>} : memref<128x128xf32, #tpu.memory_space<vmem>>, vector<16xf32>,
      %swap3A_49 = arith.index_cast %scan3A_30 : i32 to index
      %swap3A_50 = arith.constant 96 : index
      %swap3A_51 = tpu.vector_load %arg8[%swap3A_49, %swap3A_50] {strides = array<i32>} : memref<128x128xf32, #tpu.memory_space<vmem>>, vector<16xf32>,
      tpu.vector_store %arg8[%swap3A_49, %swap3A_50], %broadcast_in_dim3A_1 {strides = array<i32>} : memref<128x128xf32, #tpu.memory_space<vmem>>, vector<16xf32>,
      %swap3A_52 = arith.index_cast %scan3A_30 : i32 to index
      %swap3A_53 = arith.constant 112 : index
      %swap3A_54 = tpu.vector_load %arg8[%swap3A_52, %swap3A_53] {strides = array<i32>} : memref<128x128xf32, #tpu.memory_space<vmem>>, vector<16xf32>,
      tpu.vector_store %arg8[%swap3A_52, %swap3A_53], %broadcast_in_dim3A_1 {strides = array<i32>} : memref<128x128xf32, #tpu.memory_space<vmem>>, vector<16xf32>,
      %scan3A_55 = arith.constant 0 : i32
      scf.yield %scan3A_55 : i32
    }
    %scan3A_7 = arith.constant 128 : i32
    %mul3A_8 = arith.constant 640 : i32
    %mul3A_9 = arith.muli %arg1, %mul3A_8 : i32
    %add3A_10 = arith.constant 0 : i32
    %add3A_11 = arith.addi %mul3A_9, %add3A_10 : i32
    "tpu.region"() ({
      %run_scoped3A = tpu.sem_alloc : memref<!tpu.dma_semaphore, #tpu.memory_space<semaphore_mem>>
      %dma_start3A = arith.constant 0 : i32
      %dma_start3A_30 = arith.constant 0 : i32
      %dma_start3A_31 = tpu.memref_slice %arg8[%dma_start3A, %dma_start3A_30] : memref<128x128xf32, #tpu.memory_space<vmem>> -> memref<128x128xf32, #tpu.memory_space<vmem>>
      %dma_start3A_32 = arith.constant 0 : i32
      %dma_start3A_33 = tpu.memref_slice %arg9[%add3A_11, %dma_start3A_32] : memref<10240x128xf32, #tpu.memory_space<vmem_shared>> -> memref<128x128xf32, #tpu.memory_space<vmem_shared>>
      %dma_start3A_34 = arith.constant 0 : i32
      %dma_start3A_35 = tpu.memref_slice %arg9[%add3A_11, %dma_start3A_34] : memref<10240x128xf32, #tpu.memory_space<vmem_shared>> -> memref<128x128xf32, #tpu.memory_space<vmem_shared>>
      %dma_start3A_36 = arith.constant 0 : i32
      %dma_start3A_37 = arith.constant 0 : i32
      %dma_start3A_38 = tpu.memref_slice %arg8[%dma_start3A_36, %dma_start3A_37] : memref<128x128xf32, #tpu.memory_space<vmem>> -> memref<128x128xf32, #tpu.memory_space<vmem>>
      tpu.enqueue_dma source(%dma_start3A_38 : memref<128x128xf32, #tpu.memory_space<vmem>>) target(%dma_start3A_35 : memref<128x128xf32, #tpu.memory_space<vmem_shared>>) target_semaphore(%run_scoped3A : memref<!tpu.dma_semaphore, #tpu.memory_space<semaphore_mem>>)
      %dma_wait3A = arith.constant 0 : i32
      %dma_wait3A_39 = arith.constant 0 : i32
      %dma_wait3A_40 = tpu.memref_slice %arg8[%dma_wait3A, %dma_wait3A_39] : memref<128x128xf32, #tpu.memory_space<vmem>> -> memref<128x128xf32, #tpu.memory_space<vmem>>
      %dma_wait3A_41 = arith.constant 0 : i32
      %dma_wait3A_42 = tpu.memref_slice %arg9[%add3A_11, %dma_wait3A_41] : memref<10240x128xf32, #tpu.memory_space<vmem_shared>> -> memref<128x128xf32, #tpu.memory_space<vmem_shared>>
      %dma_wait3A_43 = arith.constant 0 : i32
      %dma_wait3A_44 = tpu.memref_slice %arg9[%add3A_11, %dma_wait3A_43] : memref<10240x128xf32, #tpu.memory_space<vmem_shared>> -> memref<128x128xf32, #tpu.memory_space<vmem_shared>>
      %dma_wait3A_45 = arith.constant 0 : i32
      %dma_wait3A_46 = arith.constant 0 : i32
      %dma_wait3A_47 = tpu.memref_slice %arg8[%dma_wait3A_45, %dma_wait3A_46] : memref<128x128xf32, #tpu.memory_space<vmem>> -> memref<128x128xf32, #tpu.memory_space<vmem>>
      tpu.wait_dma2 semaphore(%run_scoped3A : memref<!tpu.dma_semaphore, #tpu.memory_space<semaphore_mem>>) src(%dma_wait3A_47 : memref<128x128xf32, #tpu.memory_space<vmem>>) dst(%dma_wait3A_44 : memref<128x128xf32, #tpu.memory_space<vmem_shared>>)
      tpu.yield
    }) : () -> ()
    %add3A_12 = arith.constant 128 : i32
    %add3A_13 = arith.addi %mul3A_9, %add3A_12 : i32
    "tpu.region"() ({
      %run_scoped3A = tpu.sem_alloc : memref<!tpu.dma_semaphore, #tpu.memory_space<semaphore_mem>>
      %dma_start3A = arith.constant 0 : i32
      %dma_start3A_30 = arith.constant 0 : i32
      %dma_start3A_31 = tpu.memref_slice %arg8[%dma_start3A, %dma_start3A_30] : memref<128x128xf32, #tpu.memory_space<vmem>> -> memref<128x128xf32, #tpu.memory_space<vmem>>
      %dma_start3A_32 = arith.constant 0 : i32
      %dma_start3A_33 = tpu.memref_slice %arg9[%add3A_13, %dma_start3A_32] : memref<10240x128xf32, #tpu.memory_space<vmem_shared>> -> memref<128x128xf32, #tpu.memory_space<vmem_shared>>
      %dma_start3A_34 = arith.constant 0 : i32
      %dma_start3A_35 = tpu.memref_slice %arg9[%add3A_13, %dma_start3A_34] : memref<10240x128xf32, #tpu.memory_space<vmem_shared>> -> memref<128x128xf32, #tpu.memory_space<vmem_shared>>
      %dma_start3A_36 = arith.constant 0 : i32
      %dma_start3A_37 = arith.constant 0 : i32
      %dma_start3A_38 = tpu.memref_slice %arg8[%dma_start3A_36, %dma_start3A_37] : memref<128x128xf32, #tpu.memory_space<vmem>> -> memref<128x128xf32, #tpu.memory_space<vmem>>
      tpu.enqueue_dma source(%dma_start3A_38 : memref<128x128xf32, #tpu.memory_space<vmem>>) target(%dma_start3A_35 : memref<128x128xf32, #tpu.memory_space<vmem_shared>>) target_semaphore(%run_scoped3A : memref<!tpu.dma_semaphore, #tpu.memory_space<semaphore_mem>>)
      %dma_wait3A = arith.constant 0 : i32
      %dma_wait3A_39 = arith.constant 0 : i32
      %dma_wait3A_40 = tpu.memref_slice %arg8[%dma_wait3A, %dma_wait3A_39] : memref<128x128xf32, #tpu.memory_space<vmem>> -> memref<128x128xf32, #tpu.memory_space<vmem>>
      %dma_wait3A_41 = arith.constant 0 : i32
      %dma_wait3A_42 = tpu.memref_slice %arg9[%add3A_13, %dma_wait3A_41] : memref<10240x128xf32, #tpu.memory_space<vmem_shared>> -> memref<128x128xf32, #tpu.memory_space<vmem_shared>>
      %dma_wait3A_43 = arith.constant 0 : i32
      %dma_wait3A_44 = tpu.memref_slice %arg9[%add3A_13, %dma_wait3A_43] : memref<10240x128xf32, #tpu.memory_space<vmem_shared>> -> memref<128x128xf32, #tpu.memory_space<vmem_shared>>
      %dma_wait3A_45 = arith.constant 0 : i32
      %dma_wait3A_46 = arith.constant 0 : i32
      %dma_wait3A_47 = tpu.memref_slice %arg8[%dma_wait3A_45, %dma_wait3A_46] : memref<128x128xf32, #tpu.memory_space<vmem>> -> memref<128x128xf32, #tpu.memory_space<vmem>>
      tpu.wait_dma2 semaphore(%run_scoped3A : memref<!tpu.dma_semaphore, #tpu.memory_space<semaphore_mem>>) src(%dma_wait3A_47 : memref<128x128xf32, #tpu.memory_space<vmem>>) dst(%dma_wait3A_44 : memref<128x128xf32, #tpu.memory_space<vmem_shared>>)
      tpu.yield
    }) : () -> ()
    %add3A_14 = arith.constant 256 : i32
    %add3A_15 = arith.addi %mul3A_9, %add3A_14 : i32
    "tpu.region"() ({
      %run_scoped3A = tpu.sem_alloc : memref<!tpu.dma_semaphore, #tpu.memory_space<semaphore_mem>>
      %dma_start3A = arith.constant 0 : i32
      %dma_start3A_30 = arith.constant 0 : i32
      %dma_start3A_31 = tpu.memref_slice %arg8[%dma_start3A, %dma_start3A_30] : memref<128x128xf32, #tpu.memory_space<vmem>> -> memref<128x128xf32, #tpu.memory_space<vmem>>
      %dma_start3A_32 = arith.constant 0 : i32
      %dma_start3A_33 = tpu.memref_slice %arg9[%add3A_15, %dma_start3A_32] : memref<10240x128xf32, #tpu.memory_space<vmem_shared>> -> memref<128x128xf32, #tpu.memory_space<vmem_shared>>
      %dma_start3A_34 = arith.constant 0 : i32
      %dma_start3A_35 = tpu.memref_slice %arg9[%add3A_15, %dma_start3A_34] : memref<10240x128xf32, #tpu.memory_space<vmem_shared>> -> memref<128x128xf32, #tpu.memory_space<vmem_shared>>
      %dma_start3A_36 = arith.constant 0 : i32
      %dma_start3A_37 = arith.constant 0 : i32
      %dma_start3A_38 = tpu.memref_slice %arg8[%dma_start3A_36, %dma_start3A_37] : memref<128x128xf32, #tpu.memory_space<vmem>> -> memref<128x128xf32, #tpu.memory_space<vmem>>
      tpu.enqueue_dma source(%dma_start3A_38 : memref<128x128xf32, #tpu.memory_space<vmem>>) target(%dma_start3A_35 : memref<128x128xf32, #tpu.memory_space<vmem_shared>>) target_semaphore(%run_scoped3A : memref<!tpu.dma_semaphore, #tpu.memory_space<semaphore_mem>>)
      %dma_wait3A = arith.constant 0 : i32
      %dma_wait3A_39 = arith.constant 0 : i32
      %dma_wait3A_40 = tpu.memref_slice %arg8[%dma_wait3A, %dma_wait3A_39] : memref<128x128xf32, #tpu.memory_space<vmem>> -> memref<128x128xf32, #tpu.memory_space<vmem>>
      %dma_wait3A_41 = arith.constant 0 : i32
      %dma_wait3A_42 = tpu.memref_slice %arg9[%add3A_15, %dma_wait3A_41] : memref<10240x128xf32, #tpu.memory_space<vmem_shared>> -> memref<128x128xf32, #tpu.memory_space<vmem_shared>>
      %dma_wait3A_43 = arith.constant 0 : i32
      %dma_wait3A_44 = tpu.memref_slice %arg9[%add3A_15, %dma_wait3A_43] : memref<10240x128xf32, #tpu.memory_space<vmem_shared>> -> memref<128x128xf32, #tpu.memory_space<vmem_shared>>
      %dma_wait3A_45 = arith.constant 0 : i32
      %dma_wait3A_46 = arith.constant 0 : i32
      %dma_wait3A_47 = tpu.memref_slice %arg8[%dma_wait3A_45, %dma_wait3A_46] : memref<128x128xf32, #tpu.memory_space<vmem>> -> memref<128x128xf32, #tpu.memory_space<vmem>>
      tpu.wait_dma2 semaphore(%run_scoped3A : memref<!tpu.dma_semaphore, #tpu.memory_space<semaphore_mem>>) src(%dma_wait3A_47 : memref<128x128xf32, #tpu.memory_space<vmem>>) dst(%dma_wait3A_44 : memref<128x128xf32, #tpu.memory_space<vmem_shared>>)
      tpu.yield
    }) : () -> ()
    %add3A_16 = arith.constant 384 : i32
    %add3A_17 = arith.addi %mul3A_9, %add3A_16 : i32
    "tpu.region"() ({
      %run_scoped3A = tpu.sem_alloc : memref<!tpu.dma_semaphore, #tpu.memory_space<semaphore_mem>>
      %dma_start3A = arith.constant 0 : i32
      %dma_start3A_30 = arith.constant 0 : i32
      %dma_start3A_31 = tpu.memref_slice %arg8[%dma_start3A, %dma_start3A_30] : memref<128x128xf32, #tpu.memory_space<vmem>> -> memref<128x128xf32, #tpu.memory_space<vmem>>
      %dma_start3A_32 = arith.constant 0 : i32
      %dma_start3A_33 = tpu.memref_slice %arg9[%add3A_17, %dma_start3A_32] : memref<10240x128xf32, #tpu.memory_space<vmem_shared>> -> memref<128x128xf32, #tpu.memory_space<vmem_shared>>
      %dma_start3A_34 = arith.constant 0 : i32
      %dma_start3A_35 = tpu.memref_slice %arg9[%add3A_17, %dma_start3A_34] : memref<10240x128xf32, #tpu.memory_space<vmem_shared>> -> memref<128x128xf32, #tpu.memory_space<vmem_shared>>
      %dma_start3A_36 = arith.constant 0 : i32
      %dma_start3A_37 = arith.constant 0 : i32
      %dma_start3A_38 = tpu.memref_slice %arg8[%dma_start3A_36, %dma_start3A_37] : memref<128x128xf32, #tpu.memory_space<vmem>> -> memref<128x128xf32, #tpu.memory_space<vmem>>
      tpu.enqueue_dma source(%dma_start3A_38 : memref<128x128xf32, #tpu.memory_space<vmem>>) target(%dma_start3A_35 : memref<128x128xf32, #tpu.memory_space<vmem_shared>>) target_semaphore(%run_scoped3A : memref<!tpu.dma_semaphore, #tpu.memory_space<semaphore_mem>>)
      %dma_wait3A = arith.constant 0 : i32
      %dma_wait3A_39 = arith.constant 0 : i32
      %dma_wait3A_40 = tpu.memref_slice %arg8[%dma_wait3A, %dma_wait3A_39] : memref<128x128xf32, #tpu.memory_space<vmem>> -> memref<128x128xf32, #tpu.memory_space<vmem>>
      %dma_wait3A_41 = arith.constant 0 : i32
      %dma_wait3A_42 = tpu.memref_slice %arg9[%add3A_17, %dma_wait3A_41] : memref<10240x128xf32, #tpu.memory_space<vmem_shared>> -> memref<128x128xf32, #tpu.memory_space<vmem_shared>>
      %dma_wait3A_43 = arith.constant 0 : i32
      %dma_wait3A_44 = tpu.memref_slice %arg9[%add3A_17, %dma_wait3A_43] : memref<10240x128xf32, #tpu.memory_space<vmem_shared>> -> memref<128x128xf32, #tpu.memory_space<vmem_shared>>
      %dma_wait3A_45 = arith.constant 0 : i32
      %dma_wait3A_46 = arith.constant 0 : i32
      %dma_wait3A_47 = tpu.memref_slice %arg8[%dma_wait3A_45, %dma_wait3A_46] : memref<128x128xf32, #tpu.memory_space<vmem>> -> memref<128x128xf32, #tpu.memory_space<vmem>>
      tpu.wait_dma2 semaphore(%run_scoped3A : memref<!tpu.dma_semaphore, #tpu.memory_space<semaphore_mem>>) src(%dma_wait3A_47 : memref<128x128xf32, #tpu.memory_space<vmem>>) dst(%dma_wait3A_44 : memref<128x128xf32, #tpu.memory_space<vmem_shared>>)
      tpu.yield
    }) : () -> ()
    %add3A_18 = arith.constant 512 : i32
    %add3A_19 = arith.addi %mul3A_9, %add3A_18 : i32
    "tpu.region"() ({
      %run_scoped3A = tpu.sem_alloc : memref<!tpu.dma_semaphore, #tpu.memory_space<semaphore_mem>>
      %dma_start3A = arith.constant 0 : i32
      %dma_start3A_30 = arith.constant 0 : i32
      %dma_start3A_31 = tpu.memref_slice %arg8[%dma_start3A, %dma_start3A_30] : memref<128x128xf32, #tpu.memory_space<vmem>> -> memref<128x128xf32, #tpu.memory_space<vmem>>
      %dma_start3A_32 = arith.constant 0 : i32
      %dma_start3A_33 = tpu.memref_slice %arg9[%add3A_19, %dma_start3A_32] : memref<10240x128xf32, #tpu.memory_space<vmem_shared>> -> memref<128x128xf32, #tpu.memory_space<vmem_shared>>
      %dma_start3A_34 = arith.constant 0 : i32
      %dma_start3A_35 = tpu.memref_slice %arg9[%add3A_19, %dma_start3A_34] : memref<10240x128xf32, #tpu.memory_space<vmem_shared>> -> memref<128x128xf32, #tpu.memory_space<vmem_shared>>
      %dma_start3A_36 = arith.constant 0 : i32
      %dma_start3A_37 = arith.constant 0 : i32
      %dma_start3A_38 = tpu.memref_slice %arg8[%dma_start3A_36, %dma_start3A_37] : memref<128x128xf32, #tpu.memory_space<vmem>> -> memref<128x128xf32, #tpu.memory_space<vmem>>
      tpu.enqueue_dma source(%dma_start3A_38 : memref<128x128xf32, #tpu.memory_space<vmem>>) target(%dma_start3A_35 : memref<128x128xf32, #tpu.memory_space<vmem_shared>>) target_semaphore(%run_scoped3A : memref<!tpu.dma_semaphore, #tpu.memory_space<semaphore_mem>>)
      %dma_wait3A = arith.constant 0 : i32
      %dma_wait3A_39 = arith.constant 0 : i32
      %dma_wait3A_40 = tpu.memref_slice %arg8[%dma_wait3A, %dma_wait3A_39] : memref<128x128xf32, #tpu.memory_space<vmem>> -> memref<128x128xf32, #tpu.memory_space<vmem>>
      %dma_wait3A_41 = arith.constant 0 : i32
      %dma_wait3A_42 = tpu.memref_slice %arg9[%add3A_19, %dma_wait3A_41] : memref<10240x128xf32, #tpu.memory_space<vmem_shared>> -> memref<128x128xf32, #tpu.memory_space<vmem_shared>>
      %dma_wait3A_43 = arith.constant 0 : i32
      %dma_wait3A_44 = tpu.memref_slice %arg9[%add3A_19, %dma_wait3A_43] : memref<10240x128xf32, #tpu.memory_space<vmem_shared>> -> memref<128x128xf32, #tpu.memory_space<vmem_shared>>
      %dma_wait3A_45 = arith.constant 0 : i32
      %dma_wait3A_46 = arith.constant 0 : i32
      %dma_wait3A_47 = tpu.memref_slice %arg8[%dma_wait3A_45, %dma_wait3A_46] : memref<128x128xf32, #tpu.memory_space<vmem>> -> memref<128x128xf32, #tpu.memory_space<vmem>>
      tpu.wait_dma2 semaphore(%run_scoped3A : memref<!tpu.dma_semaphore, #tpu.memory_space<semaphore_mem>>) src(%dma_wait3A_47 : memref<128x128xf32, #tpu.memory_space<vmem>>) dst(%dma_wait3A_44 : memref<128x128xf32, #tpu.memory_space<vmem_shared>>)
      tpu.yield
    }) : () -> ()
    %barrier3A = arith.constant 0 : index
    tpu.barrier barrier_id(%barrier3A)
    %scan3A_20 = arith.constant 0 : i32
    %scan3A_21 = arith.constant 0 : i32
    %scan3A_22 = arith.constant 79 : i32
    %scan3A_23 = arith.addi %scan3A_21, %scan3A_22 : i32
    %scan3A_24 = arith.constant 1 : i32
    %scan3A_25 = scf.for %scan3A_30 = %scan3A_21 to %scan3A_23 step %scan3A_24 iter_args(%scan3A_31 = %scan3A_20) -> (i32)  : i32 {
      %mul3A_32 = arith.constant 79 : i32
      %mul3A_33 = arith.muli %add3A, %mul3A_32 : i32
      %add3A_34 = arith.addi %mul3A_33, %scan3A_30 : i32
      %mul3A_35 = arith.constant 128 : i32
      %mul3A_36 = arith.muli %add3A_34, %mul3A_35 : i32
      %run_scoped3A = arith.constant 0 : i32
      "tpu.region"() ({
        %run_scoped3A_43 = tpu.sem_alloc : memref<!tpu.dma_semaphore, #tpu.memory_space<semaphore_mem>>
        %dma_start3A_44 = tpu.memref_slice %arg3[%run_scoped3A, %mul3A_36] : memref<2x323584xi32, #tpu.memory_space<hbm>> -> memref<1x128xi32, #tpu.memory_space<hbm>>
        %dma_start3A_45 = tpu.memref_squeeze %dma_start3A_44 : memref<1x128xi32, #tpu.memory_space<hbm>> -> memref<128xi32, #tpu.memory_space<hbm>>
        %dma_start3A_46 = tpu.memref_slice %arg3[%run_scoped3A, %mul3A_36] : memref<2x323584xi32, #tpu.memory_space<hbm>> -> memref<1x128xi32, #tpu.memory_space<hbm>>
        %dma_start3A_47 = tpu.memref_squeeze %dma_start3A_46 : memref<1x128xi32, #tpu.memory_space<hbm>> -> memref<128xi32, #tpu.memory_space<hbm>>
        tpu.enqueue_dma source(%dma_start3A_47 : memref<128xi32, #tpu.memory_space<hbm>>) target(%arg5 : memref<128xi32, #tpu.memory_space<vmem>>) target_semaphore(%run_scoped3A_43 : memref<!tpu.dma_semaphore, #tpu.memory_space<semaphore_mem>>)
        %dma_wait3A_48 = tpu.memref_slice %arg3[%run_scoped3A, %mul3A_36] : memref<2x323584xi32, #tpu.memory_space<hbm>> -> memref<1x128xi32, #tpu.memory_space<hbm>>
        %dma_wait3A_49 = tpu.memref_squeeze %dma_wait3A_48 : memref<1x128xi32, #tpu.memory_space<hbm>> -> memref<128xi32, #tpu.memory_space<hbm>>
        %dma_wait3A_50 = tpu.memref_slice %arg3[%run_scoped3A, %mul3A_36] : memref<2x323584xi32, #tpu.memory_space<hbm>> -> memref<1x128xi32, #tpu.memory_space<hbm>>
        %dma_wait3A_51 = tpu.memref_squeeze %dma_wait3A_50 : memref<1x128xi32, #tpu.memory_space<hbm>> -> memref<128xi32, #tpu.memory_space<hbm>>
        tpu.wait_dma2 semaphore(%run_scoped3A_43 : memref<!tpu.dma_semaphore, #tpu.memory_space<semaphore_mem>>) src(%dma_wait3A_51 : memref<128xi32, #tpu.memory_space<hbm>>) dst(%arg5 : memref<128xi32, #tpu.memory_space<vmem>>)
        tpu.yield
      }) : () -> ()
      %run_scoped3A_37 = arith.constant 1 : i32
      "tpu.region"() ({
        %run_scoped3A_43 = tpu.sem_alloc : memref<!tpu.dma_semaphore, #tpu.memory_space<semaphore_mem>>
        %dma_start3A_44 = tpu.memref_slice %arg3[%run_scoped3A_37, %mul3A_36] : memref<2x323584xi32, #tpu.memory_space<hbm>> -> memref<1x128xi32, #tpu.memory_space<hbm>>
        %dma_start3A_45 = tpu.memref_squeeze %dma_start3A_44 : memref<1x128xi32, #tpu.memory_space<hbm>> -> memref<128xi32, #tpu.memory_space<hbm>>
        %dma_start3A_46 = tpu.memref_slice %arg3[%run_scoped3A_37, %mul3A_36] : memref<2x323584xi32, #tpu.memory_space<hbm>> -> memref<1x128xi32, #tpu.memory_space<hbm>>
        %dma_start3A_47 = tpu.memref_squeeze %dma_start3A_46 : memref<1x128xi32, #tpu.memory_space<hbm>> -> memref<128xi32, #tpu.memory_space<hbm>>
        tpu.enqueue_dma source(%dma_start3A_47 : memref<128xi32, #tpu.memory_space<hbm>>) target(%arg6 : memref<128xi32, #tpu.memory_space<vmem>>) target_semaphore(%run_scoped3A_43 : memref<!tpu.dma_semaphore, #tpu.memory_space<semaphore_mem>>)
        %dma_wait3A_48 = tpu.memref_slice %arg3[%run_scoped3A_37, %mul3A_36] : memref<2x323584xi32, #tpu.memory_space<hbm>> -> memref<1x128xi32, #tpu.memory_space<hbm>>
        %dma_wait3A_49 = tpu.memref_squeeze %dma_wait3A_48 : memref<1x128xi32, #tpu.memory_space<hbm>> -> memref<128xi32, #tpu.memory_space<hbm>>
        %dma_wait3A_50 = tpu.memref_slice %arg3[%run_scoped3A_37, %mul3A_36] : memref<2x323584xi32, #tpu.memory_space<hbm>> -> memref<1x128xi32, #tpu.memory_space<hbm>>
        %dma_wait3A_51 = tpu.memref_squeeze %dma_wait3A_50 : memref<1x128xi32, #tpu.memory_space<hbm>> -> memref<128xi32, #tpu.memory_space<hbm>>
        tpu.wait_dma2 semaphore(%run_scoped3A_43 : memref<!tpu.dma_semaphore, #tpu.memory_space<semaphore_mem>>) src(%dma_wait3A_51 : memref<128xi32, #tpu.memory_space<hbm>>) dst(%arg6 : memref<128xi32, #tpu.memory_space<vmem>>)
        tpu.yield
      }) : () -> ()
      %dma_start3A = arith.constant 0 : i32
      %dma_start3A_38 = arith.constant 0 : i32
      %dma_start3A_39 = tpu.memref_slice %arg2[%dma_start3A, %dma_start3A_38] : memref<10000x128xf32, #tpu.memory_space<hbm>> -> memref<10000x128xf32, #tpu.memory_space<hbm>>
      tpu.enqueue_indirect_dma source(%dma_start3A_39 : memref<10000x128xf32, #tpu.memory_space<hbm>>) target(%arg7 : memref<128x128xf32, #tpu.memory_space<vmem>>) offsets(%arg5 : memref<128xi32, #tpu.memory_space<vmem>>) semaphore(%arg10 : memref<!tpu.dma_semaphore, #tpu.memory_space<semaphore_mem>>)
      %dma_wait3A = arith.constant 0 : i32
      %dma_wait3A_40 = arith.constant 0 : i32
      %dma_wait3A_41 = tpu.memref_slice %arg2[%dma_wait3A, %dma_wait3A_40] : memref<10000x128xf32, #tpu.memory_space<hbm>> -> memref<10000x128xf32, #tpu.memory_space<hbm>>
      tpu.wait_indirect_dma semaphore(%arg10 : memref<!tpu.dma_semaphore, #tpu.memory_space<semaphore_mem>>) src(%dma_wait3A_41 : memref<10000x128xf32, #tpu.memory_space<hbm>>) dst(%arg7 : memref<128x128xf32, #tpu.memory_space<vmem>>)
      "tpu.region"() ({
        %run_scoped3A_43 = tpu.sem_alloc : memref<!tpu.dma_semaphore, #tpu.memory_space<semaphore_mem>>
        %dma_start3A_44 = arith.constant 0 : i32
        %dma_start3A_45 = arith.constant 0 : i32
        %dma_start3A_46 = tpu.memref_slice %arg9[%dma_start3A_44, %dma_start3A_45] : memref<10240x128xf32, #tpu.memory_space<vmem_shared>> -> memref<10240x128xf32, #tpu.memory_space<vmem_shared>>
        tpu.enqueue_indirect_dma source(%arg7 : memref<128x128xf32, #tpu.memory_space<vmem>>) target(%dma_start3A_46 : memref<10240x128xf32, #tpu.memory_space<vmem_shared>>) offsets(%arg6 : memref<128xi32, #tpu.memory_space<vmem>>) semaphore(%run_scoped3A_43 : memref<!tpu.dma_semaphore, #tpu.memory_space<semaphore_mem>>) {add = true}
        %dma_wait3A_47 = arith.constant 0 : i32
        %dma_wait3A_48 = arith.constant 0 : i32
        %dma_wait3A_49 = tpu.memref_slice %arg9[%dma_wait3A_47, %dma_wait3A_48] : memref<10240x128xf32, #tpu.memory_space<vmem_shared>> -> memref<10240x128xf32, #tpu.memory_space<vmem_shared>>
        tpu.wait_indirect_dma semaphore(%run_scoped3A_43 : memref<!tpu.dma_semaphore, #tpu.memory_space<semaphore_mem>>) src(%arg7 : memref<128x128xf32, #tpu.memory_space<vmem>>) dst(%dma_wait3A_49 : memref<10240x128xf32, #tpu.memory_space<vmem_shared>>)
        tpu.yield
      }) : () -> ()
      %scan3A_42 = arith.constant 0 : i32
      scf.yield %scan3A_42 : i32
    }
    %scan3A_26 = arith.constant 79 : i32
    %barrier3A_27 = arith.constant 0 : index
    tpu.barrier barrier_id(%barrier3A_27)
    %mul3A_28 = arith.constant 640 : i32
    %mul3A_29 = arith.muli %arg1, %mul3A_28 : i32
    "tpu.region"() ({
      %run_scoped3A = tpu.sem_alloc : memref<!tpu.dma_semaphore, #tpu.memory_space<semaphore_mem>>
      %dma_start3A = arith.constant 0 : i32
      %dma_start3A_30 = tpu.memref_slice %arg4[%arg0, %mul3A_29, %dma_start3A] : memref<2x10240x128xf32, #tpu.memory_space<hbm>> -> memref<1x640x128xf32, #tpu.memory_space<hbm>>
      %dma_start3A_31 = tpu.memref_squeeze %dma_start3A_30 : memref<1x640x128xf32, #tpu.memory_space<hbm>> -> memref<640x128xf32, #tpu.memory_space<hbm>>
      %dma_start3A_32 = arith.constant 0 : i32
      %dma_start3A_33 = tpu.memref_slice %arg9[%mul3A_29, %dma_start3A_32] : memref<10240x128xf32, #tpu.memory_space<vmem_shared>> -> memref<640x128xf32, #tpu.memory_space<vmem_shared>>
      tpu.enqueue_dma source(%dma_start3A_33 : memref<640x128xf32, #tpu.memory_space<vmem_shared>>) target(%dma_start3A_31 : memref<640x128xf32, #tpu.memory_space<hbm>>) target_semaphore(%run_scoped3A : memref<!tpu.dma_semaphore, #tpu.memory_space<semaphore_mem>>)
      %dma_wait3A = arith.constant 0 : i32
      %dma_wait3A_34 = tpu.memref_slice %arg4[%arg0, %mul3A_29, %dma_wait3A] : memref<2x10240x128xf32, #tpu.memory_space<hbm>> -> memref<1x640x128xf32, #tpu.memory_space<hbm>>
      %dma_wait3A_35 = tpu.memref_squeeze %dma_wait3A_34 : memref<1x640x128xf32, #tpu.memory_space<hbm>> -> memref<640x128xf32, #tpu.memory_space<hbm>>
      %dma_wait3A_36 = arith.constant 0 : i32
      %dma_wait3A_37 = tpu.memref_slice %arg9[%mul3A_29, %dma_wait3A_36] : memref<10240x128xf32, #tpu.memory_space<vmem_shared>> -> memref<640x128xf32, #tpu.memory_space<vmem_shared>>
      tpu.wait_dma2 semaphore(%run_scoped3A : memref<!tpu.dma_semaphore, #tpu.memory_space<semaphore_mem>>) src(%dma_wait3A_37 : memref<640x128xf32, #tpu.memory_space<vmem_shared>>) dst(%dma_wait3A_35 : memref<640x128xf32, #tpu.memory_space<hbm>>)
      tpu.yield
    }) : () -> ()
    return
  }
}

module attributes {stable_mosaic.version = 14 : i64} {
  func.func @_layer0_body(%arg0: i32, %arg1: memref<1x1x1000xi32, #tpu.memory_space<vmem>>, %arg2: memref<1000x128xf32, #tpu.memory_space<vmem>>, %arg3: memref<1000x128xf32, #tpu.memory_space<vmem>>, %arg4: memref<128x128xf32, #tpu.memory_space<vmem>>, %arg5: memref<128x128xf32, #tpu.memory_space<vmem>>, %arg6: memref<128x128xf32, #tpu.memory_space<vmem>>, %arg7: memref<1x128xf32, #tpu.memory_space<vmem>>, %arg8: memref<1000x128xf32, #tpu.memory_space<vmem>>, %arg9: memref<1000x1xf32, #tpu.memory_space<vmem>>) attributes {dimension_semantics = [#tpu.dimension_semantics<arbitrary>], iteration_bounds = array<i64: 10>, scalar_prefetch = 0 : i64, scratch_operands = 0 : i64, tpu.core_type = #tpu.core_type<tc>, window_params = [{transform_indices = @transform_0, window_bounds = array<i64: 1, 1, 1000>}, {transform_indices = @transform_1, window_bounds = array<i64: 1000, 128>}, {transform_indices = @transform_2, window_bounds = array<i64: 1000, 128>}, {pipeline_mode = #tpu.pipeline_mode<synchronous>, transform_indices = @transform_3, window_bounds = array<i64: 128, 128>}, {pipeline_mode = #tpu.pipeline_mode<synchronous>, transform_indices = @transform_4, window_bounds = array<i64: 128, 128>}, {pipeline_mode = #tpu.pipeline_mode<synchronous>, transform_indices = @transform_5, window_bounds = array<i64: 128, 128>}, {pipeline_mode = #tpu.pipeline_mode<synchronous>, transform_indices = @transform_6, window_bounds = array<i64: 1, 128>}, {transform_indices = @transform_7, window_bounds = array<i64: 1000, 128>}, {transform_indices = @transform_8, window_bounds = array<i64: 1000, 1>}]} {
    %get3A = arith.constant 0 : index
    %get3A_0 = arith.constant 0 : index
    %get3A_1 = vector.load %arg2[%get3A, %get3A_0] : memref<1000x128xf32, #tpu.memory_space<vmem>>, vector<1000x128xf32>
    %get3A_2 = arith.constant 0 : index
    %get3A_3 = arith.constant 0 : index
    %get3A_4 = vector.load %arg3[%get3A_2, %get3A_3] : memref<1000x128xf32, #tpu.memory_space<vmem>>, vector<1000x128xf32>
    %add3A = arith.addf %get3A_1, %get3A_4 : vector<1000x128xf32>
    %reduce_sum3A = arith.constant dense<0.000000e+00> : vector<1000xf32>
    %reduce_sum3A_5 = vector.multi_reduction <add>, %add3A, %reduce_sum3A [1] : vector<1000x128xf32> to vector<1000xf32>
    %max3A = arith.constant 1.000000e+00 : f32
    %max3A_6 = vector.broadcast %max3A : f32 to vector<1000xf32>
    %max3A_7 = arith.maximumf %reduce_sum3A_5, %max3A_6 : vector<1000xf32>
    %div3A = arith.constant 1.000000e+00 : f32
    %div3A_8 = vector.broadcast %div3A : f32 to vector<1000xf32>
    %div3A_9 = arith.divf %div3A_8, %max3A_7 : vector<1000xf32>
    %get3A_10 = arith.constant 0 : index
    %get3A_11 = arith.constant 0 : index
    %get3A_12 = vector.load %arg4[%get3A_10, %get3A_11] : memref<128x128xf32, #tpu.memory_space<vmem>>, vector<128x128xf32>
    %get3A_13 = arith.constant 0 : index
    %get3A_14 = arith.constant 0 : index
    %get3A_15 = arith.constant 0 : index
    %get3A_16 = vector.load %arg1[%get3A_13, %get3A_14, %get3A_15] : memref<1x1x1000xi32, #tpu.memory_space<vmem>>, vector<1x1x1000xi32>
    %get3A_17 = vector.shape_cast %get3A_16 : vector<1x1x1000xi32> to vector<1x1000xi32>
    %iota3A = tpu.iota {dimensions = array<i32: 0>} : vector<128x1000xi32>
    %eq3A = vector.broadcast %get3A_17 : vector<1x1000xi32> to vector<128x1000xi32>
    %eq3A_18 = arith.cmpi eq, %iota3A, %eq3A : vector<128x1000xi32>
    %convert_element_type3A = arith.extui %eq3A_18 : vector<128x1000xi1> to vector<128x1000xi32>
    %convert_element_type3A_19 = arith.sitofp %convert_element_type3A : vector<128x1000xi32> to vector<128x1000xf32>
    %dot_general3A = arith.constant dense<0.000000e+00> : vector<1000x128xf32>
    %dot_general3A_20 = tpu.matmul %convert_element_type3A_19, %get3A_12, %dot_general3A {dimension_numbers = #tpu.dot_dimension_numbers<[0], [0], [1], [1], [0, 1, 1, 1], [], []>, transpose_lhs_hint = false} : vector<128x1000xf32>, vector<128x128xf32>, vector<1000x128xf32> -> vector<1000x128xf32>
    %dot_general3A_21 = arith.constant dense<0.000000e+00> : vector<1000x128xf32>
    %dot_general3A_22 = tpu.matmul %add3A, %get3A_12, %dot_general3A_21 {dimension_numbers = #tpu.dot_dimension_numbers<[1], [0], [0], [1], [0, 0, 1, 1], [], []>, transpose_lhs_hint = false} : vector<1000x128xf32>, vector<128x128xf32>, vector<1000x128xf32> -> vector<1000x128xf32>
    %broadcast_in_dim3A = vector.shape_cast %div3A_9 : vector<1000xf32> to vector<1000x1xf32>
    %mul3A = vector.broadcast %broadcast_in_dim3A : vector<1000x1xf32> to vector<1000x128xf32>
    %mul3A_23 = arith.mulf %dot_general3A_22, %mul3A : vector<1000x128xf32>
    %get3A_24 = arith.constant 0 : index
    %get3A_25 = arith.constant 0 : index
    %get3A_26 = vector.load %arg5[%get3A_24, %get3A_25] : memref<128x128xf32, #tpu.memory_space<vmem>>, vector<128x128xf32>
    %dot_general3A_27 = arith.constant dense<0.000000e+00> : vector<1000x128xf32>
    %dot_general3A_28 = tpu.matmul %dot_general3A_20, %get3A_26, %dot_general3A_27 {dimension_numbers = #tpu.dot_dimension_numbers<[1], [0], [0], [1], [0, 0, 1, 1], [], []>, transpose_lhs_hint = false} : vector<1000x128xf32>, vector<128x128xf32>, vector<1000x128xf32> -> vector<1000x128xf32>
    %get3A_29 = arith.constant 0 : index
    %get3A_30 = arith.constant 0 : index
    %get3A_31 = vector.load %arg6[%get3A_29, %get3A_30] : memref<128x128xf32, #tpu.memory_space<vmem>>, vector<128x128xf32>
    %dot_general3A_32 = arith.constant dense<0.000000e+00> : vector<1000x128xf32>
    %dot_general3A_33 = tpu.matmul %mul3A_23, %get3A_31, %dot_general3A_32 {dimension_numbers = #tpu.dot_dimension_numbers<[1], [0], [0], [1], [0, 0, 1, 1], [], []>, transpose_lhs_hint = false} : vector<1000x128xf32>, vector<128x128xf32>, vector<1000x128xf32> -> vector<1000x128xf32>
    %add3A_34 = arith.addf %dot_general3A_28, %dot_general3A_33 : vector<1000x128xf32>
    %get3A_35 = arith.constant 0 : index
    %get3A_36 = arith.constant 0 : index
    %get3A_37 = vector.load %arg7[%get3A_35, %get3A_36] : memref<1x128xf32, #tpu.memory_space<vmem>>, vector<1x128xf32>
    %add3A_38 = vector.broadcast %get3A_37 : vector<1x128xf32> to vector<1000x128xf32>
    %add3A_39 = arith.addf %add3A_34, %add3A_38 : vector<1000x128xf32>
    %max3A_40 = arith.constant 0.000000e+00 : f32
    %max3A_41 = vector.broadcast %max3A_40 : f32 to vector<1000x128xf32>
    %max3A_42 = arith.maximumf %add3A_39, %max3A_41 : vector<1000x128xf32>
    %swap3A = arith.constant 0 : index
    %swap3A_43 = arith.constant 0 : index
    %swap3A_44 = vector.load %arg8[%swap3A, %swap3A_43] : memref<1000x128xf32, #tpu.memory_space<vmem>>, vector<1000x128xf32>
    tpu.vector_store %arg8[%swap3A, %swap3A_43], %max3A_42 {strides = array<i32>} : memref<1000x128xf32, #tpu.memory_space<vmem>>, vector<1000x128xf32>,
    %broadcast_in_dim3A_45 = vector.shape_cast %div3A_9 : vector<1000xf32> to vector<1000x1xf32>
    %swap3A_46 = arith.constant 0 : index
    %swap3A_47 = arith.constant 0 : index
    %swap3A_48 = vector.load %arg9[%swap3A_46, %swap3A_47] : memref<1000x1xf32, #tpu.memory_space<vmem>>, vector<1000x1xf32>
    tpu.vector_store %arg9[%swap3A_46, %swap3A_47], %broadcast_in_dim3A_45 {strides = array<i32>} : memref<1000x1xf32, #tpu.memory_space<vmem>>, vector<1000x1xf32>,
    return
  }
  func.func @transform_0(%arg0: i32) -> (i32, i32, i32) {
    %c0_i32 = arith.constant 0 : i32
    %c0_i32_0 = arith.constant 0 : i32
    %c0_i32_1 = arith.constant 0 : i32
    return %arg0, %c0_i32, %c0_i32_0 : i32, i32, i32
  }
  func.func @transform_1(%arg0: i32) -> (i32, i32) {
    %c0_i32 = arith.constant 0 : i32
    %c0_i32_0 = arith.constant 0 : i32
    return %arg0, %c0_i32 : i32, i32
  }
  func.func @transform_2(%arg0: i32) -> (i32, i32) {
    %c0_i32 = arith.constant 0 : i32
    %c0_i32_0 = arith.constant 0 : i32
    return %arg0, %c0_i32 : i32, i32
  }
  func.func @transform_3(%arg0: i32) -> (i32, i32) {
    %c0_i32 = arith.constant 0 : i32
    %c0_i32_0 = arith.constant 0 : i32
    %c0_i32_1 = arith.constant 0 : i32
    return %c0_i32, %c0_i32_0 : i32, i32
  }
  func.func @transform_4(%arg0: i32) -> (i32, i32) {
    %c0_i32 = arith.constant 0 : i32
    %c0_i32_0 = arith.constant 0 : i32
    %c0_i32_1 = arith.constant 0 : i32
    return %c0_i32, %c0_i32_0 : i32, i32
  }
  func.func @transform_5(%arg0: i32) -> (i32, i32) {
    %c0_i32 = arith.constant 0 : i32
    %c0_i32_0 = arith.constant 0 : i32
    %c0_i32_1 = arith.constant 0 : i32
    return %c0_i32, %c0_i32_0 : i32, i32
  }
  func.func @transform_6(%arg0: i32) -> (i32, i32) {
    %c0_i32 = arith.constant 0 : i32
    %c0_i32_0 = arith.constant 0 : i32
    %c0_i32_1 = arith.constant 0 : i32
    return %c0_i32, %c0_i32_0 : i32, i32
  }
  func.func @transform_7(%arg0: i32) -> (i32, i32) {
    %c0_i32 = arith.constant 0 : i32
    %c0_i32_0 = arith.constant 0 : i32
    return %arg0, %c0_i32 : i32, i32
  }
  func.func @transform_8(%arg0: i32) -> (i32, i32) {
    %c0_i32 = arith.constant 0 : i32
    %c0_i32_0 = arith.constant 0 : i32
    return %arg0, %c0_i32 : i32, i32
  }
}

module attributes {stable_mosaic.version = 14 : i64} {
  func.func @_dense_layer_body(%arg0: i32, %arg1: memref<1000x128xf32, #tpu.memory_space<vmem>>, %arg2: memref<1000x128xf32, #tpu.memory_space<vmem>>, %arg3: memref<1000x128xf32, #tpu.memory_space<vmem>>, %arg4: memref<1000x1xf32, #tpu.memory_space<vmem>>, %arg5: memref<128x128xf32, #tpu.memory_space<vmem>>, %arg6: memref<128x128xf32, #tpu.memory_space<vmem>>, %arg7: memref<1x128xf32, #tpu.memory_space<vmem>>, %arg8: memref<1000x128xf32, #tpu.memory_space<vmem>>) attributes {dimension_semantics = [#tpu.dimension_semantics<arbitrary>], iteration_bounds = array<i64: 10>, scalar_prefetch = 0 : i64, scratch_operands = 0 : i64, tpu.core_type = #tpu.core_type<tc>, window_params = [{transform_indices = @transform_0, window_bounds = array<i64: 1000, 128>}, {transform_indices = @transform_1, window_bounds = array<i64: 1000, 128>}, {transform_indices = @transform_2, window_bounds = array<i64: 1000, 128>}, {transform_indices = @transform_3, window_bounds = array<i64: 1000, 1>}, {pipeline_mode = #tpu.pipeline_mode<synchronous>, transform_indices = @transform_4, window_bounds = array<i64: 128, 128>}, {pipeline_mode = #tpu.pipeline_mode<synchronous>, transform_indices = @transform_5, window_bounds = array<i64: 128, 128>}, {pipeline_mode = #tpu.pipeline_mode<synchronous>, transform_indices = @transform_6, window_bounds = array<i64: 1, 128>}, {transform_indices = @transform_7, window_bounds = array<i64: 1000, 128>}]} {
    %get3A = arith.constant 0 : index
    %get3A_0 = arith.constant 0 : index
    %get3A_1 = vector.load %arg2[%get3A, %get3A_0] : memref<1000x128xf32, #tpu.memory_space<vmem>>, vector<1000x128xf32>
    %get3A_2 = arith.constant 0 : index
    %get3A_3 = arith.constant 0 : index
    %get3A_4 = vector.load %arg3[%get3A_2, %get3A_3] : memref<1000x128xf32, #tpu.memory_space<vmem>>, vector<1000x128xf32>
    %add3A = arith.addf %get3A_1, %get3A_4 : vector<1000x128xf32>
    %get3A_5 = arith.constant 0 : index
    %get3A_6 = arith.constant 0 : index
    %get3A_7 = vector.load %arg4[%get3A_5, %get3A_6] : memref<1000x1xf32, #tpu.memory_space<vmem>>, vector<1000x1xf32>
    %mul3A = vector.broadcast %get3A_7 : vector<1000x1xf32> to vector<1000x128xf32>
    %mul3A_8 = arith.mulf %add3A, %mul3A : vector<1000x128xf32>
    %get3A_9 = arith.constant 0 : index
    %get3A_10 = arith.constant 0 : index
    %get3A_11 = vector.load %arg1[%get3A_9, %get3A_10] : memref<1000x128xf32, #tpu.memory_space<vmem>>, vector<1000x128xf32>
    %get3A_12 = arith.constant 0 : index
    %get3A_13 = arith.constant 0 : index
    %get3A_14 = vector.load %arg5[%get3A_12, %get3A_13] : memref<128x128xf32, #tpu.memory_space<vmem>>, vector<128x128xf32>
    %dot_general3A = arith.constant dense<0.000000e+00> : vector<1000x128xf32>
    %dot_general3A_15 = tpu.matmul %get3A_11, %get3A_14, %dot_general3A {dimension_numbers = #tpu.dot_dimension_numbers<[1], [0], [0], [1], [0, 0, 1, 1], [], []>, transpose_lhs_hint = false} : vector<1000x128xf32>, vector<128x128xf32>, vector<1000x128xf32> -> vector<1000x128xf32>
    %get3A_16 = arith.constant 0 : index
    %get3A_17 = arith.constant 0 : index
    %get3A_18 = vector.load %arg6[%get3A_16, %get3A_17] : memref<128x128xf32, #tpu.memory_space<vmem>>, vector<128x128xf32>
    %dot_general3A_19 = arith.constant dense<0.000000e+00> : vector<1000x128xf32>
    %dot_general3A_20 = tpu.matmul %mul3A_8, %get3A_18, %dot_general3A_19 {dimension_numbers = #tpu.dot_dimension_numbers<[1], [0], [0], [1], [0, 0, 1, 1], [], []>, transpose_lhs_hint = false} : vector<1000x128xf32>, vector<128x128xf32>, vector<1000x128xf32> -> vector<1000x128xf32>
    %add3A_21 = arith.addf %dot_general3A_15, %dot_general3A_20 : vector<1000x128xf32>
    %get3A_22 = arith.constant 0 : index
    %get3A_23 = arith.constant 0 : index
    %get3A_24 = vector.load %arg7[%get3A_22, %get3A_23] : memref<1x128xf32, #tpu.memory_space<vmem>>, vector<1x128xf32>
    %add3A_25 = vector.broadcast %get3A_24 : vector<1x128xf32> to vector<1000x128xf32>
    %add3A_26 = arith.addf %add3A_21, %add3A_25 : vector<1000x128xf32>
    %max3A = arith.constant 0.000000e+00 : f32
    %max3A_27 = vector.broadcast %max3A : f32 to vector<1000x128xf32>
    %max3A_28 = arith.maximumf %add3A_26, %max3A_27 : vector<1000x128xf32>
    %swap3A = arith.constant 0 : index
    %swap3A_29 = arith.constant 0 : index
    %swap3A_30 = vector.load %arg8[%swap3A, %swap3A_29] : memref<1000x128xf32, #tpu.memory_space<vmem>>, vector<1000x128xf32>
    tpu.vector_store %arg8[%swap3A, %swap3A_29], %max3A_28 {strides = array<i32>} : memref<1000x128xf32, #tpu.memory_space<vmem>>, vector<1000x128xf32>,
    return
  }
  func.func @transform_0(%arg0: i32) -> (i32, i32) {
    %c0_i32 = arith.constant 0 : i32
    %c0_i32_0 = arith.constant 0 : i32
    return %arg0, %c0_i32 : i32, i32
  }
  func.func @transform_1(%arg0: i32) -> (i32, i32) {
    %c0_i32 = arith.constant 0 : i32
    %c0_i32_0 = arith.constant 0 : i32
    return %arg0, %c0_i32 : i32, i32
  }
  func.func @transform_2(%arg0: i32) -> (i32, i32) {
    %c0_i32 = arith.constant 0 : i32
    %c0_i32_0 = arith.constant 0 : i32
    return %arg0, %c0_i32 : i32, i32
  }
  func.func @transform_3(%arg0: i32) -> (i32, i32) {
    %c0_i32 = arith.constant 0 : i32
    %c0_i32_0 = arith.constant 0 : i32
    return %arg0, %c0_i32 : i32, i32
  }
  func.func @transform_4(%arg0: i32) -> (i32, i32) {
    %c0_i32 = arith.constant 0 : i32
    %c0_i32_0 = arith.constant 0 : i32
    %c0_i32_1 = arith.constant 0 : i32
    return %c0_i32, %c0_i32_0 : i32, i32
  }
  func.func @transform_5(%arg0: i32) -> (i32, i32) {
    %c0_i32 = arith.constant 0 : i32
    %c0_i32_0 = arith.constant 0 : i32
    %c0_i32_1 = arith.constant 0 : i32
    return %c0_i32, %c0_i32_0 : i32, i32
  }
  func.func @transform_6(%arg0: i32) -> (i32, i32) {
    %c0_i32 = arith.constant 0 : i32
    %c0_i32_0 = arith.constant 0 : i32
    %c0_i32_1 = arith.constant 0 : i32
    return %c0_i32, %c0_i32_0 : i32, i32
  }
  func.func @transform_7(%arg0: i32) -> (i32, i32) {
    %c0_i32 = arith.constant 0 : i32
    %c0_i32_0 = arith.constant 0 : i32
    return %arg0, %c0_i32 : i32, i32
  }
}

module attributes {stable_mosaic.version = 14 : i64} {
  func.func @_heads_body(%arg0: i32, %arg1: memref<1000x128xf32, #tpu.memory_space<vmem>>, %arg2: memref<128x128xf32, #tpu.memory_space<vmem>>, %arg3: memref<1x128xf32, #tpu.memory_space<vmem>>, %arg4: memref<128x1xf32, #tpu.memory_space<vmem>>, %arg5: memref<1x1xf32, #tpu.memory_space<vmem>>, %arg6: memref<1x1x1000xf32, #tpu.memory_space<vmem>>, %arg7: memref<8x128xf32, #tpu.memory_space<vmem>>, %arg8: memref<1xf32, #tpu.memory_space<smem>>) attributes {dimension_semantics = [#tpu.dimension_semantics<arbitrary>], iteration_bounds = array<i64: 10>, scalar_prefetch = 0 : i64, scratch_operands = 1 : i64, tpu.core_type = #tpu.core_type<tc>, window_params = [{transform_indices = @transform_0, window_bounds = array<i64: 1000, 128>}, {pipeline_mode = #tpu.pipeline_mode<synchronous>, transform_indices = @transform_1, window_bounds = array<i64: 128, 128>}, {pipeline_mode = #tpu.pipeline_mode<synchronous>, transform_indices = @transform_2, window_bounds = array<i64: 1, 128>}, {pipeline_mode = #tpu.pipeline_mode<synchronous>, transform_indices = @transform_3, window_bounds = array<i64: 128, 1>}, {pipeline_mode = #tpu.pipeline_mode<synchronous>, transform_indices = @transform_4, window_bounds = array<i64: 1, 1>}, {transform_indices = @transform_5, window_bounds = array<i64: 1, 1, 1000>}, {pipeline_mode = #tpu.pipeline_mode<synchronous>, transform_indices = @transform_6, window_bounds = array<i64: 8, 128>}]} {
    %get3A = arith.constant 0 : index
    %get3A_0 = arith.constant 0 : index
    %get3A_1 = vector.load %arg1[%get3A, %get3A_0] : memref<1000x128xf32, #tpu.memory_space<vmem>>, vector<1000x128xf32>
    %get3A_2 = arith.constant 0 : index
    %get3A_3 = arith.constant 0 : index
    %get3A_4 = vector.load %arg2[%get3A_2, %get3A_3] : memref<128x128xf32, #tpu.memory_space<vmem>>, vector<128x128xf32>
    %dot_general3A = arith.constant dense<0.000000e+00> : vector<1000x128xf32>
    %dot_general3A_5 = tpu.matmul %get3A_1, %get3A_4, %dot_general3A {dimension_numbers = #tpu.dot_dimension_numbers<[1], [0], [0], [1], [0, 0, 1, 1], [], []>, transpose_lhs_hint = false} : vector<1000x128xf32>, vector<128x128xf32>, vector<1000x128xf32> -> vector<1000x128xf32>
    %get3A_6 = arith.constant 0 : index
    %get3A_7 = arith.constant 0 : index
    %get3A_8 = vector.load %arg3[%get3A_6, %get3A_7] : memref<1x128xf32, #tpu.memory_space<vmem>>, vector<1x128xf32>
    %add3A = vector.broadcast %get3A_8 : vector<1x128xf32> to vector<1000x128xf32>
    %add3A_9 = arith.addf %dot_general3A_5, %add3A : vector<1000x128xf32>
    %max3A = arith.constant 0.000000e+00 : f32
    %max3A_10 = vector.broadcast %max3A : f32 to vector<1000x128xf32>
    %max3A_11 = arith.maximumf %add3A_9, %max3A_10 : vector<1000x128xf32>
    %get3A_12 = arith.constant 0 : index
    %get3A_13 = arith.constant 0 : index
    %get3A_14 = vector.load %arg4[%get3A_12, %get3A_13] : memref<128x1xf32, #tpu.memory_space<vmem>>, vector<128x1xf32>
    %dot_general3A_15 = arith.constant dense<0.000000e+00> : vector<1000x1xf32>
    %dot_general3A_16 = tpu.matmul %max3A_11, %get3A_14, %dot_general3A_15 {dimension_numbers = #tpu.dot_dimension_numbers<[1], [0], [0], [1], [0, 0, 1, 1], [], []>, transpose_lhs_hint = false} : vector<1000x128xf32>, vector<128x1xf32>, vector<1000x1xf32> -> vector<1000x1xf32>
    %get3A_17 = arith.constant 0 : index
    %get3A_18 = arith.constant 0 : index
    %get3A_19 = vector.load %arg5[%get3A_17, %get3A_18] : memref<1x1xf32, #tpu.memory_space<vmem>>, vector<1x1xf32>
    %get3A_20 = vector.extract %get3A_19[0, 0] : f32 from vector<1x1xf32>
    %add3A_21 = vector.broadcast %get3A_20 : f32 to vector<1000x1xf32>
    %add3A_22 = arith.addf %dot_general3A_16, %add3A_21 : vector<1000x1xf32>
    %squeeze3A = vector.shape_cast %add3A_22 : vector<1000x1xf32> to vector<1000xf32>
    %swap3A = arith.constant 0 : index
    %swap3A_23 = arith.constant 0 : index
    %swap3A_24 = arith.constant 0 : index
    %swap3A_25 = vector.load %arg6[%swap3A, %swap3A_23, %swap3A_24] : memref<1x1x1000xf32, #tpu.memory_space<vmem>>, vector<1x1x1000xf32>
    %swap3A_26 = vector.shape_cast %swap3A_25 : vector<1x1x1000xf32> to vector<1000xf32>
    %swap3A_27 = vector.shape_cast %squeeze3A : vector<1000xf32> to vector<1x1x1000xf32>
    tpu.vector_store %arg6[%swap3A, %swap3A_23, %swap3A_24], %swap3A_27 {strides = array<i32>} : memref<1x1x1000xf32, #tpu.memory_space<vmem>>, vector<1x1x1000xf32>,
    %argmax3A = vector.shape_cast %squeeze3A : vector<1000xf32> to vector<1x1000xf32>
    %argmax3A_28 = tpu.reduce_index %argmax3A {axis = 1 : i32, kind = #tpu.reduction_kind<arg_max>} : vector<1x1000xf32> -> vector<1xi32>
    %argmax3A_29 = vector.extract %argmax3A_28[0] : i32 from vector<1xi32>
    %reduce_max3A = vector.shape_cast %squeeze3A : vector<1000xf32> to vector<1x1000xf32>
    %reduce_max3A_30 = arith.constant dense<0xFF800000> : vector<1xf32>
    %reduce_max3A_31 = vector.multi_reduction <maximumf>, %reduce_max3A, %reduce_max3A_30 [1] : vector<1x1000xf32> to vector<1xf32>
    %reduce_max3A_32 = vector.shape_cast %reduce_max3A_31 : vector<1xf32> to vector<1x1xf32>
    %reduce_max3A_33 = vector.extract %reduce_max3A_32[0, 0] : f32 from vector<1x1xf32>
    %eq3A = arith.constant 0 : i32
    %eq3A_34 = arith.cmpi eq, %arg0, %eq3A : i32
    %convert_element_type3A = arith.extui %eq3A_34 : i1 to i32
    %cond3A = arith.constant 0 : i32
    %cond3A_35 = arith.cmpi ne, %convert_element_type3A, %cond3A : i32
    scf.if %cond3A_35 {
      %sub3A = arith.constant 1.000000e+00 : f32
      %sub3A_41 = arith.subf %reduce_max3A_33, %sub3A : f32
      %swap3A_42 = arith.constant 0 : index
      %swap3A_43 = memref.load %arg8[%swap3A_42] : memref<1xf32, #tpu.memory_space<smem>>
      memref.store %sub3A_41, %arg8[%swap3A_42] : memref<1xf32, #tpu.memory_space<smem>>
    } else {
    }
    %get3A_36 = arith.constant 0 : index
    %get3A_37 = memref.load %arg8[%get3A_36] : memref<1xf32, #tpu.memory_space<smem>>
    %gt3A = arith.cmpf ogt, %reduce_max3A_33, %get3A_37 : f32
    %convert_element_type3A_38 = arith.extui %gt3A : i1 to i32
    %cond3A_39 = arith.constant 0 : i32
    %cond3A_40 = arith.cmpi ne, %convert_element_type3A_38, %cond3A_39 : i32
    scf.if %cond3A_40 {
      %swap3A_41 = arith.constant 0 : index
      %swap3A_42 = memref.load %arg8[%swap3A_41] : memref<1xf32, #tpu.memory_space<smem>>
      memref.store %reduce_max3A_33, %arg8[%swap3A_41] : memref<1xf32, #tpu.memory_space<smem>>
      %iota3A = tpu.iota {dimensions = array<i32: 0>} : vector<1000x1xi32>
      %eq3A_43 = vector.broadcast %argmax3A_29 : i32 to vector<1000x1xi32>
      %eq3A_44 = arith.cmpi eq, %iota3A, %eq3A_43 : vector<1000x1xi32>
      %convert_element_type3A_45 = arith.extui %eq3A_44 : vector<1000x1xi1> to vector<1000x1xi32>
      %convert_element_type3A_46 = arith.sitofp %convert_element_type3A_45 : vector<1000x1xi32> to vector<1000x1xf32>
      %mul3A = vector.broadcast %convert_element_type3A_46 : vector<1000x1xf32> to vector<1000x128xf32>
      %mul3A_47 = arith.mulf %get3A_1, %mul3A : vector<1000x128xf32>
      %reduce_sum3A = arith.constant dense<0.000000e+00> : vector<128xf32>
      %reduce_sum3A_48 = vector.multi_reduction <add>, %mul3A_47, %reduce_sum3A [0] : vector<1000x128xf32> to vector<128xf32>
      %broadcast_in_dim3A = vector.shape_cast %reduce_sum3A_48 : vector<128xf32> to vector<1x128xf32>
      %broadcast_in_dim3A_49 = vector.shape_cast %broadcast_in_dim3A : vector<1x128xf32> to vector<1x128xf32>
      %broadcast_in_dim3A_50 = vector.broadcast %broadcast_in_dim3A_49 : vector<1x128xf32> to vector<8x128xf32>
      %swap3A_51 = arith.constant 0 : index
      %swap3A_52 = arith.constant 0 : index
      %swap3A_53 = vector.load %arg7[%swap3A_51, %swap3A_52] : memref<8x128xf32, #tpu.memory_space<vmem>>, vector<8x128xf32>
      tpu.vector_store %arg7[%swap3A_51, %swap3A_52], %broadcast_in_dim3A_50 {strides = array<i32>} : memref<8x128xf32, #tpu.memory_space<vmem>>, vector<8x128xf32>,
    } else {
    }
    return
  }
  func.func @transform_0(%arg0: i32) -> (i32, i32) {
    %c0_i32 = arith.constant 0 : i32
    %c0_i32_0 = arith.constant 0 : i32
    return %arg0, %c0_i32 : i32, i32
  }
  func.func @transform_1(%arg0: i32) -> (i32, i32) {
    %c0_i32 = arith.constant 0 : i32
    %c0_i32_0 = arith.constant 0 : i32
    %c0_i32_1 = arith.constant 0 : i32
    return %c0_i32, %c0_i32_0 : i32, i32
  }
  func.func @transform_2(%arg0: i32) -> (i32, i32) {
    %c0_i32 = arith.constant 0 : i32
    %c0_i32_0 = arith.constant 0 : i32
    %c0_i32_1 = arith.constant 0 : i32
    return %c0_i32, %c0_i32_0 : i32, i32
  }
  func.func @transform_3(%arg0: i32) -> (i32, i32) {
    %c0_i32 = arith.constant 0 : i32
    %c0_i32_0 = arith.constant 0 : i32
    %c0_i32_1 = arith.constant 0 : i32
    return %c0_i32, %c0_i32_0 : i32, i32
  }
  func.func @transform_4(%arg0: i32) -> (i32, i32) {
    %c0_i32 = arith.constant 0 : i32
    %c0_i32_0 = arith.constant 0 : i32
    %c0_i32_1 = arith.constant 0 : i32
    return %c0_i32, %c0_i32_0 : i32, i32
  }
  func.func @transform_5(%arg0: i32) -> (i32, i32, i32) {
    %c0_i32 = arith.constant 0 : i32
    %c0_i32_0 = arith.constant 0 : i32
    %c0_i32_1 = arith.constant 0 : i32
    return %arg0, %c0_i32, %c0_i32_0 : i32, i32, i32
  }
  func.func @transform_6(%arg0: i32) -> (i32, i32) {
    %c0_i32 = arith.constant 0 : i32
    %c0_i32_0 = arith.constant 0 : i32
    %c0_i32_1 = arith.constant 0 : i32
    return %c0_i32, %c0_i32_0 : i32, i32
  }
}

module attributes {stable_mosaic.version = 14 : i64} {
  func.func @_actor_body(%arg0: memref<8x128xf32, #tpu.memory_space<vmem>>, %arg1: memref<128x256xf32, #tpu.memory_space<vmem>>, %arg2: memref<1x256xf32, #tpu.memory_space<vmem>>, %arg3: memref<256x512xf32, #tpu.memory_space<vmem>>, %arg4: memref<1x512xf32, #tpu.memory_space<vmem>>, %arg5: memref<8x512xf32, #tpu.memory_space<vmem>>) attributes {dimension_semantics = [], scalar_prefetch = 0 : i64, scratch_operands = 0 : i64, tpu.core_type = #tpu.core_type<tc>} {
    %get3A = arith.constant 0 : index
    %get3A_0 = arith.constant 0 : index
    %get3A_1 = vector.load %arg0[%get3A, %get3A_0] : memref<8x128xf32, #tpu.memory_space<vmem>>, vector<8x128xf32>
    %get3A_2 = arith.constant 0 : index
    %get3A_3 = arith.constant 0 : index
    %get3A_4 = vector.load %arg1[%get3A_2, %get3A_3] : memref<128x256xf32, #tpu.memory_space<vmem>>, vector<128x256xf32>
    %dot_general3A = arith.constant dense<0.000000e+00> : vector<8x256xf32>
    %dot_general3A_5 = tpu.matmul %get3A_1, %get3A_4, %dot_general3A {dimension_numbers = #tpu.dot_dimension_numbers<[1], [0], [0], [1], [0, 0, 1, 1], [], []>, transpose_lhs_hint = false} : vector<8x128xf32>, vector<128x256xf32>, vector<8x256xf32> -> vector<8x256xf32>
    %get3A_6 = arith.constant 0 : index
    %get3A_7 = arith.constant 0 : index
    %get3A_8 = vector.load %arg2[%get3A_6, %get3A_7] : memref<1x256xf32, #tpu.memory_space<vmem>>, vector<1x256xf32>
    %add3A = vector.broadcast %get3A_8 : vector<1x256xf32> to vector<8x256xf32>
    %add3A_9 = arith.addf %dot_general3A_5, %add3A : vector<8x256xf32>
    %max3A = arith.constant 0.000000e+00 : f32
    %max3A_10 = vector.broadcast %max3A : f32 to vector<8x256xf32>
    %max3A_11 = arith.maximumf %add3A_9, %max3A_10 : vector<8x256xf32>
    %get3A_12 = arith.constant 0 : index
    %get3A_13 = arith.constant 0 : index
    %get3A_14 = vector.load %arg3[%get3A_12, %get3A_13] : memref<256x512xf32, #tpu.memory_space<vmem>>, vector<256x512xf32>
    %dot_general3A_15 = arith.constant dense<0.000000e+00> : vector<8x512xf32>
    %dot_general3A_16 = tpu.matmul %max3A_11, %get3A_14, %dot_general3A_15 {dimension_numbers = #tpu.dot_dimension_numbers<[1], [0], [0], [1], [0, 0, 1, 1], [], []>, transpose_lhs_hint = false} : vector<8x256xf32>, vector<256x512xf32>, vector<8x512xf32> -> vector<8x512xf32>
    %get3A_17 = arith.constant 0 : index
    %get3A_18 = arith.constant 0 : index
    %get3A_19 = vector.load %arg4[%get3A_17, %get3A_18] : memref<1x512xf32, #tpu.memory_space<vmem>>, vector<1x512xf32>
    %add3A_20 = vector.broadcast %get3A_19 : vector<1x512xf32> to vector<8x512xf32>
    %add3A_21 = arith.addf %dot_general3A_16, %add3A_20 : vector<8x512xf32>
    %swap3A = arith.constant 0 : index
    %swap3A_22 = arith.constant 0 : index
    %swap3A_23 = vector.load %arg5[%swap3A, %swap3A_22] : memref<8x512xf32, #tpu.memory_space<vmem>>, vector<8x512xf32>
    tpu.vector_store %arg5[%swap3A, %swap3A_22], %add3A_21 {strides = array<i32>} : memref<8x512xf32, #tpu.memory_space<vmem>>, vector<8x512xf32>,
    return
  }
}

</mosaic_0001>

<sc_bundles>
// kernel: kernel.10.cloned.1.call-start
scs
__scs_entry_jumppad:
0x0: {  	(pc) =	sbr.rel $0x88, $3  }
0x1: {  	(tag) =	ssettag $0x0;
	lr =	simm.s32 $0x1  }
0x2: {  	[smem:$0x3F90] =	sst lr;
	_ =	strace $0xD0000000  }
0x3: {  	_ = 	snop  }
0x4: {  	_ = 	snop  }
0x5: {  	_ = 	snop  }
0x6: {  	_ = 	snop  }
0x7: {  	_ = 	snop  }
__scs_overlays_trampoline_lowered:
0x8: {  	[smem:$0x3F9F] =	sst s0  }
0x9: {  	[smem:$0x3FA0] =	sst s1  }
0xa: {  	[smem:$0x3FA1] =	sst s2  }
0xb: {  	[smem:$0x3FA2] =	sst s3  }
0xc: {  	[smem:$0x3FA3] =	sst s4  }
0xd: {  	[smem:$0x3FA4] =	sst s5  }
0xe: {  	[smem:$0x3FA5] =	sst s6  }
0xf: {  	[smem:$0x3FA6] =	sst s7  }
0x10: {  	[smem:$0x3FA7] =	sst s8  }
0x11: {  	[smem:$0x3FA8] =	sst s9;
	s0 =	simm.s32 @!p0 $0x0  }
0x12: {  	s1 =	sld [smem:$0x3F8E];
	s0 =	simm.s32 @p0 $0x1  }
0x13: {  	[smem:$0x3FA9] =	sst s0;
	s0 =	simm.s32 @!p1 $0x0  }
0x14: {  	s2 =	sld [smem:$0x3F8D];
	s0 =	simm.s32 @p1 $0x1  }
0x15: {  	[smem:$0x3FAA] =	sst s0;
	s0 =	simm.s32 @!p2 $0x0  }
0x16: {  	s3 =	sld [smem:$0x3FDB];
	s0 =	simm.s32 @p2 $0x1  }
0x17: {  	s4 =	simm.s32 $0x1BF5;
	[smem:$0x3FAC] =	sst s0  }
0x18: {  	s0 =	sld [smem:$0x3F8F];
	_ =	swait.ge [sflag:s4], $0x0  }
0x19: {  	s7 =	sld [smem:$0x3F90]  }
0x1a: {  	s8 =	sadd.s32 $0xFFFFE003, lr  }
0x1b: {  	s9 =	sadd.s32 $0xFFFFFEF7, lr;
	s5 =	simm.s32 $0xFFFFFFFF;
	p2 =	slt.u32 s8, $0xFFFFF086  }
0x1c: {  	p1 =	slt.u32 s9, $0xF7A;
	s5 =	simm.s32 @!p2 $0x0  }
0x1d: {  	s5 =	simm.s32 @p1 $0x1;
	p0 =	seq.s32 s7, s2  }
0x1e: {  	s7 =	smul.u32 @!p0 $0xF7A, s2;
	p2 =	seq.s32 @!p0 s5, $0x0  }
0x1f: {  	s9 =	smul.u32 $0xF7A, s1;
	s8 =	simm.s32 @!p0 $0x1BF5;
	p2 =	por !p2, p0  }
0x20: {  	[sflag:s8] =	ssyncset.s32 @!p0 $0xFFFFF086;
	s6 =	sadd.s32 @!p0 s3, s7;
	s7 =	simm.s32 @!p0 $0x108  }
0x21: {  	s3 =	sadd.s32 s3, s9;
	s6 =	sadd.s32 @!p0 $0x88, s6;
	s7 =	simm.s32 @p2 $0x1082  }
0x22: {  	[simem:s7], [sflag:s8] =	dma.local @!p0 [hbm:s6], $0xF7A  }
0x23: {  	s9 =	sor.u32 $0xD0000000, s2;
	s6 =	simm.s32 $0x108;
	_ =	swait.ge @!p0 [sflag:s8], $0x0  }
0x24: {  	s3 =	sadd.s32 $0x88, s3;
	s6 =	simm.s32 @!p1 $0x1082;
	[sflag:s4] =	ssyncset.s32 $0xFFFFF086  }
0x25: {  	[simem:s6], [sflag:s4] =	dma.local [hbm:s3], $0xF7A  }
0x26: {  	[smem:$0x3F90] =	sst s1;
	(tag) =	ssettag s2;
	_ =	strace s9  }
0x27: {  	s1 =	sld [smem:$0x3FA0]  }
0x28: {  	s2 =	sld [smem:$0x3FA1]  }
0x29: {  	s4 =	sld [smem:$0x3FA3]  }
0x2a: {  	p0 =	seq.s32 s5, $0x0;
	s5 =	sld [smem:$0x3FA4]  }
0x2b: {  	s6 =	sld [smem:$0x3FA5]  }
0x2c: {  	s7 =	sld [smem:$0x3FA6]  }
0x2d: {  	s3 =	simm.s32 $0x108;
	s8 =	sld [smem:$0x3FA7]  }
0x2e: {  	s3 =	simm.s32 @!p0 $0x1082;
	s9 =	sld [smem:$0x3FA8]  }
0x2f: {  	lr =	sadd.s32 s0, s3;
	s0 =	sld [smem:$0x3F9F]  }
0x30: {  	s3 =	sld [smem:$0x3FA2]  }
0x31: {  	[smem:$0x3FAB] =	sst s10  }
0x32: {  	s10 =	sld [smem:$0x3FA9];
	_ =	sdelay $0x3  }
0x33: {  	p0 =	seq.s32 s10, $0x1;
	s10 =	sld [smem:$0x3FAB];
	_ =	sdelay $0x3  }
0x34: {  	[smem:$0x3FAB] =	sst s10  }
0x35: {  	s10 =	sld [smem:$0x3FAA];
	_ =	sdelay $0x3  }
0x36: {  	p1 =	seq.s32 s10, $0x1;
	s10 =	sld [smem:$0x3FAB];
	_ =	sdelay $0x3  }
0x37: {  	[smem:$0x3FAB] =	sst s10  }
0x38: {  	s10 =	sld [smem:$0x3FAC]  }
0x39: {  	_ = 	snop;
	(pc) =	sbr.ind lr, $3  }
0x3a: {  	_ = 	snop  }
0x3b: {  	_ = 	snop  }
0x3c: {  	p2 =	seq.s32 s10, $0x1;
	s10 =	sld [smem:$0x3FAB]  }
0x3d: {  	_ =	shalt  }
0x3e: {  	_ =	shalt  }
0x3f: {  	_ =	shalt  }
0x40: {  	_ =	shalt  }
0x41: {  	_ =	shalt  }
0x42: {  	_ =	shalt  }
0x43: {  	_ =	shalt  }
0x44: {  	_ =	shalt  }
0x45: {  	_ =	shalt  }
0x46: {  	_ =	shalt  }
0x47: {  	_ =	shalt  }
0x48: {  	_ =	shalt  }
0x49: {  	_ =	shalt  }
0x4a: {  	_ =	shalt  }
0x4b: {  	_ =	shalt  }
0x4c: {  	_ =	shalt  }
0x4d: {  	_ =	shalt  }
0x4e: {  	_ =	shalt  }
0x4f: {  	_ =	shalt  }
0x50: {  	_ =	shalt  }
0x51: {  	_ =	shalt  }
0x52: {  	_ =	shalt  }
0x53: {  	_ =	shalt  }
0x54: {  	_ =	shalt  }
0x55: {  	_ =	shalt  }
0x56: {  	_ =	shalt  }
0x57: {  	_ =	shalt  }
0x58: {  	_ =	shalt  }
0x59: {  	_ =	shalt  }
0x5a: {  	_ =	shalt  }
0x5b: {  	_ =	shalt  }
0x5c: {  	_ =	shalt  }
0x5d: {  	_ =	shalt  }
0x5e: {  	_ =	shalt  }
0x5f: {  	_ =	shalt  }
0x60: {  	_ =	shalt  }
0x61: {  	_ =	shalt  }
0x62: {  	_ =	shalt  }
0x63: {  	_ =	shalt  }
0x64: {  	_ =	shalt  }
0x65: {  	_ =	shalt  }
0x66: {  	_ =	shalt  }
0x67: {  	_ =	shalt  }
0x68: {  	_ =	shalt  }
0x69: {  	_ =	shalt  }
0x6a: {  	_ =	shalt  }
0x6b: {  	_ =	shalt  }
0x6c: {  	_ =	shalt  }
0x6d: {  	_ =	shalt  }
0x6e: {  	_ =	shalt  }
0x6f: {  	_ =	shalt  }
0x70: {  	_ =	shalt  }
0x71: {  	_ =	shalt  }
0x72: {  	_ =	shalt  }
0x73: {  	_ =	shalt  }
0x74: {  	_ =	shalt  }
0x75: {  	_ =	shalt  }
0x76: {  	_ =	shalt  }
0x77: {  	_ =	shalt  }
0x78: {  	_ =	shalt  }
0x79: {  	_ =	shalt  }
0x7a: {  	_ =	shalt  }
0x7b: {  	_ =	shalt  }
0x7c: {  	_ =	shalt  }
0x7d: {  	_ =	shalt  }
0x7e: {  	_ =	shalt  }
0x7f: {  	_ =	shalt  }
0x80: {  	_ =	shalt  }
0x81: {  	_ =	shalt  }
0x82: {  	_ =	shalt  }
0x83: {  	_ =	shalt  }
0x84: {  	_ =	shalt  }
0x85: {  	_ =	shalt  }
0x86: {  	_ =	shalt  }
0x87: {  	_ =	shalt  }
.Lfunc_end0:
.L_simem_size_0:
called_computation_lowered:
.L_overlay_start_0:
0x88: {  	s2 =	sld [smem:$0x3FD9]  }
0x89: {  	s3 =	sld [smem:$0x3FFE];
	_ =	sdelay $0x1  }
0x8a: {  	s1 =	srdreg.scid  }
0x8b: {  	s0 =	sand.u32 $0x1, s1  }
0x8c: {  	s17 =	sshll.u32 s0, $0xA;
	s2 =	sadd.s32 s3, s2  }
0x8d: {  	s2 =	sadd.s32 s2, s17  }
0x8e: {  	[smem:$0x3FB7] =	sst s2  }
0x8f: {  	_ = 	snop  }
0x90: {  	s2 =	sld [smem:$0x3FC9];
	(tm) =	ssettm $0x1  }
0x91: {  	s18 =	sld [smem:$0x3FFB];
	_ =	sdelay $0x3  }
0x92: {  	_ =	strace s18  }
0x93: {  	s3 =	sld [smem:$0x3FFC];
	_ =	sdelay $0x3  }
0x94: {  	_ =	strace s3  }
0x95: {  	s3 =	sld [smem:$0x3FFD];
	_ =	sdelay $0x3  }
0x96: {  	_ =	strace s3  }
0x97: {  	_ =	strace $0x8FFFFFFF  }
0x98: {  	s19 =	sld [smem:$0x3FDB];
	_ =	sdelay $0x1  }
0x99: {  	s4 =	simm.s32 $_scs_section_size  }
0x9a: {  	s5 =	simm.s32 $_size__tile_overlayer_lowered;
	s6 =	simm.s32 $_tile_overlayer_lowered  }
0x9b: {  	s22 =	simm.s32 $0x1BFF;
	s21 =	sshll.u32 s6, $0x1;
	s3 =	sadd.s32 s4, s19  }
0x9c: {  	s7 =	simm.s32 $0x0;
	s20 =	sshll.u32 s5, $0x1;
	s5 =	sadd.s32 s21, s3  }
0x9d: {  	[timem:s7], [sflag:s22] =	dma.local [hbm:s5], s20  }
0x9e: {  	_ =	swait.ge [sflag:s22], s20  }
0x9f: {  	s4 =	ssub.s32 $0x0, s20;
	[sflag:s22] =	ssyncset.done $0x0  }
0xa0: {  	[sflag:s22] =	ssyncadd.s32 s4;
	_ =	sdelay $0x1  }
0xa1: {  	s23 =	simm.s32 $0x1B8B  }
0xa2: {  	_ =	swait.ge [sflag:s23], $0x1  }
0xa3: {  	[sflag:s23] =	ssyncset.done $0x0  }
0xa4: {  	s25 =	simm.s32 $0x1B8E;
	s24 =	sld [smem:$0x3FFE];
	[sflag:s23] =	ssyncadd.s32 $0xFFFFFFFF  }
0xa5: {  	s26 =	simm.s32 $execute0_lowered;
	[smem:$0x3FD2] =	sst s25  }
0xa6: {  	s5 =	sshll.u32 s26, $0x1;
	_ =	strace $0x80000046;
	[dreg:$0x1] =	wrdreg $0xFFFFFFFF  }
0xa7: {  	s28 =	simm.s32 $_size_execute0_lowered;
	s3 =	sadd.s32 s3, s5;
	[dreg:$0x0] =	wrdreg $0x0  }
0xa8: {  	s5 =	sshll.u32 s28, $0x1;
	[dreg:$0x2] =	wrdreg s3  }
0xa9: {  	[dreg:$0x3] =	wrdreg s5  }
0xaa: {  	[dreg:$0x4] =	wrdreg $0xC0  }
0xab: {  	_ =	task [dreg:s7], $0x5FFFF  }
0xac: {  	[dreg:$0x1] =	wrdreg $0xFFFFFFFF  }
0xad: {  	[dreg:$0x0] =	wrdreg $0x60  }
0xae: {  	[dreg:$0x2] =	wrdreg s2  }
0xaf: {  	[dreg:$0x3] =	wrdreg s24  }
0xb0: {  	[dreg:$0x4] =	wrdreg $0xA9000  }
0xb1: {  	[dreg:$0x5] =	wrdreg $0x9  }
0xb2: {  	_ =	task.clear_ibuf [dreg:s7], $0x6FFFF;
	_ =	strace $0x90000046  }
0xb3: {  	s29 =	simm.s32 $0x9;
	_ =	strace $0x80000048  }
0xb4: {  	_ =	swait.ge [sflag:s29], $0x1  }
0xb5: {  	[sflag:s29] =	ssyncadd.s32 $0xFFFFFFFF  }
0xb6: {  	_ =	strace $0x90000048  }
0xb7: {  	_ =	sfence  }
0xb8: {  	s30 =	sld [smem:$0x0];
	_ =	sdelay $0x2  }
0xb9: {  	s31 =	sshll.u32 s1, $0xD;
	s1 =	sshrl.u32 s1, $0x2  }
0xba: {  	s3 =	sand.u32 $0x4000, s31;
	s1 =	sadd.s32 s1, s30  }
0xbb: {  	s0 =	sor.u32 s3, s0;
	s1 =	sshll.u32 s1, $0x11  }
0xbc: {  	s0 =	sor.u32 s1, s0  }
0xbd: {  	s0 =	sadd.s32 $0x8F2B, s0  }
0xbe: {  	[sflag:s0] =	ssyncadd.remote.s32 $0x1  }
0xbf: {  	_ =	sfence.sel $0xFFFF  }
0xc0: {  	[dreg:$0x0] =	wrdreg $0xFFFFFFFF;
	(pc) =	sbr.abs _section_cstart, $3  }
0xc1: {  	[dreg:$0x1] =	wrdreg $0xFFFFFFFF  }
0xc2: {  	_ =	task.clear_ibuf [dreg:s7], $0x2FFFF;
	_ =	strace $0x9FFFFFFF  }
0xc3: {  	(tm) =	ssettm $0x7FFFFFFF  }
tec
execute0_lowered:
.L_overlay_start_1:
0x0: {  	(tag) =	ssettag $0x1  }
0x1: {  	s1 =	rddreg [dreg:$0x0]  }
0x2: {  	s5 =	rddreg [dreg:$0x1]  }
0x3: {  	s3 =	rddreg [dreg:$0x2]  }
0x4: {  	s0 =	srdreg.scid;
	s2 =	rddreg [dreg:$0x3]  }
0x5: {  	s4 =	simm.s32 $0x0;
	s14 =	simm.s32 $0x6900;
	s6 =	sand.u32 $0x1, s0  }
0x6: {  	s15 =	simm.s32 $0x2780;
	s0 =	stileid.u32;
	s7 =	smul.u32 $0x140000, s6  }
0x7: {  	s16 =	simm.s32 $0x2800;
	s17 =	simm.s32 $0x2880;
	s8 =	smul.u32 $0x14000, s0  }
0x8: {  	s18 =	simm.s32 $0x80;
	[smem:$0x7FF] =	sst s4;
	s9 =	smul.u32 $0x9E00, s6  }
0x9: {  	s20 =	simm.s32 $0x0;
	s29 =	smul.u32 $0x50000, s0;
	_ =	strace $0x80000047  }
0xa: {  	s6 =	ssub.s32 $0x2, s6;
	s12 =	smul.u32 $0x9E0, s0;
	s19 =	sshll.u32 s0, $0x6  }
0xb: {  	v0 =	vlaneseq.u32;
	s31 =	sshrl.u32 s6, $0x1;
	s19 =	sor.u32 $0x1C01, s19;
	s7 =	sadd.s32 s8, s7  }
0xc: {  	v0 =	vmul.u32 $0x80, v0;
	s10 =	sadd.s32 s9, s5;
	s30 =	sshrl.u32 s29, $0x2;
	s7 =	sshrl.u32 s7, $0x3  }
0xd: {  	s12 =	sadd.s32 s12, s10;
	s11 =	sadd.s32 s7, s5;
	s5 =	sadd.s32 s30, s3  }
0xe: {  	v1 =	vimm.f32 $0.0e+00;
	v2 =	vimm.f32 $1.000000000e+00;
	v3 =	vor.u32 $0x800, v0;
	s13 =	ssub.s32 s6, s31;
	s12 =	sadd.s32 $0x4A00, s12;
	s6 =	sadd.s32 $0x4000, s5  }
0xf: {  	v4 =	vor.u32 $0x1000, v0;
	v5 =	vor.u32 $0x1800, v0;
	v6 =	vor.u32 $0x2000, v0;
	s7 =	sadd.s32 $0x8000, s5;
	s8 =	sadd.s32 $0xC000, s5;
	s9 =	sadd.s32 $0x10000, s5  }
0x10: {  	v7 =	vor.u32 $0x2800, v0;
	v8 =	vor.u32 $0x3000, v0;
	v9 =	vor.u32 $0x3800, v0;
	s10 =	sadd.s32 $0x18600, s11;
	s11 =	smax.u32 s13, $0x1;
	s13 =	simm.s32 $0x1  }
.LBB2_1:
0x11: {  	[tilespmem:s4], [sflag:$0x1] =	stream.linear.gather [hbm4b:s1+s4], $0x2710, $0x38;
	[tilespmem:$0x1E900] =	vst v63  }
0x12: {  	_ =	swait.ge [sflag:s13], $0x2710  }
0x13: {  	[sflag:s13] =	ssyncset.done $0x0  }
0x14: {  	s21 =	simm.s32 $0x0;
	s22 =	simm.s32 $0x200;
	[sflag:s13] =	ssyncadd.s32 $0xFFFFD8F0  }
.LBB2_2:
0x15: {  	p0 =	sne.s32 s22, $0xFE00;
	[tilespmem:s21+$0x28F0] =	vst v1  }
0x16: {  	[tilespmem:s21+$0x2880] =	vst v1  }
0x17: {  	[tilespmem:s21+$0x2890] =	vst v1  }
.Ltmp0:
0x18: {  	[tilespmem:s21+$0x28A0] =	vst v1;
	(pc) =	sbr.rel @p0 .LBB2_2-.Ltmp0, $4  }
0x19: {  	[tilespmem:s21+$0x28B0] =	vst v1  }
0x1a: {  	[tilespmem:s21+$0x28C0] =	vst v1  }
0x1b: {  	[tilespmem:s21+$0x28D0] =	vst v1  }
0x1c: {  	[tilespmem:s21+$0x28E0] =	vst v1;
	s21 =	sshra.s32 s22, $0x2;
	s22 =	sadd.s32 $0x200, s22  }
0x1d: {  	[tilespmem:s21+$0x28F0] =	vst v1  }
0x1e: {  	[tilespmem:s21+$0x2880] =	vst v1  }
0x1f: {  	[tilespmem:s21+$0x2890] =	vst v1  }
0x20: {  	[tilespmem:s21+$0x28A0] =	vst v1  }
0x21: {  	[tilespmem:s21+$0x28B0] =	vst v1  }
0x22: {  	[tilespmem:s21+$0x28C0] =	vst v1  }
0x23: {  	[tilespmem:s21+$0x28D0] =	vst v1  }
0x24: {  	[tilespmem:s21+$0x28E0] =	vst v1;
	s21 =	simm.s32 $0x0;
	s22 =	simm.s32 $0x200  }
.LBB2_4:
0x25: {  	p0 =	sne.s32 s22, $0xFE00;
	[tilespmem:s21+$0x6970] =	vst v1  }
0x26: {  	[tilespmem:s21+$0x6900] =	vst v1  }
0x27: {  	[tilespmem:s21+$0x6910] =	vst v1  }
.Ltmp1:
0x28: {  	[tilespmem:s21+$0x6920] =	vst v1;
	(pc) =	sbr.rel @p0 .LBB2_4-.Ltmp1, $4  }
0x29: {  	[tilespmem:s21+$0x6930] =	vst v1  }
0x2a: {  	[tilespmem:s21+$0x6940] =	vst v1  }
0x2b: {  	[tilespmem:s21+$0x6950] =	vst v1  }
0x2c: {  	[tilespmem:s21+$0x6960] =	vst v1;
	s21 =	sshra.s32 s22, $0x2;
	s22 =	sadd.s32 $0x200, s22  }
0x2d: {  	[tilespmem:s21+$0x6970] =	vst v1  }
0x2e: {  	[tilespmem:s21+$0x6900] =	vst v1  }
0x2f: {  	[tilespmem:s21+$0x6910] =	vst v1  }
0x30: {  	[tilespmem:s21+$0x6920] =	vst v1  }
0x31: {  	[tilespmem:s21+$0x6930] =	vst v1  }
0x32: {  	[tilespmem:s21+$0x6940] =	vst v1  }
0x33: {  	[tilespmem:s21+$0x6950] =	vst v1  }
0x34: {  	[tilespmem:s21+$0x6960] =	vst v1  }
0x35: {  	[spmem:s5] =	stream.linear.scatter [tilespmem:s14], [sflag:$0x1], $0x4000, $0x38;
	[tilespmem:$0x1E900] =	vst v63  }
0x36: {  	_ =	swait.ge [sflag:s13], $0x4000  }
0x37: {  	[sflag:s13] =	ssyncset.done $0x0  }
0x38: {  	[sflag:s13] =	ssyncadd.s32 $0xFFFFC000  }
0x39: {  	[spmem:s6] =	stream.linear.scatter [tilespmem:s14], [sflag:$0x1], $0x4000, $0x38;
	[tilespmem:$0x1E900] =	vst v63  }
0x3a: {  	_ =	swait.ge [sflag:s13], $0x4000  }
0x3b: {  	[sflag:s13] =	ssyncset.done $0x0  }
0x3c: {  	[sflag:s13] =	ssyncadd.s32 $0xFFFFC000  }
0x3d: {  	[spmem:s7] =	stream.linear.scatter [tilespmem:s14], [sflag:$0x1], $0x4000, $0x38;
	[tilespmem:$0x1E900] =	vst v63  }
0x3e: {  	_ =	swait.ge [sflag:s13], $0x4000  }
0x3f: {  	[sflag:s13] =	ssyncset.done $0x0  }
0x40: {  	[sflag:s13] =	ssyncadd.s32 $0xFFFFC000  }
0x41: {  	[spmem:s8] =	stream.linear.scatter [tilespmem:s14], [sflag:$0x1], $0x4000, $0x38;
	[tilespmem:$0x1E900] =	vst v63  }
0x42: {  	_ =	swait.ge [sflag:s13], $0x4000  }
0x43: {  	[sflag:s13] =	ssyncset.done $0x0  }
0x44: {  	[sflag:s13] =	ssyncadd.s32 $0xFFFFC000  }
0x45: {  	[spmem:s9] =	stream.linear.scatter [tilespmem:s14], [sflag:$0x1], $0x4000, $0x38;
	[tilespmem:$0x1E900] =	vst v63  }
0x46: {  	_ =	swait.ge [sflag:s13], $0x4000  }
0x47: {  	[sflag:s13] =	ssyncset.done $0x0  }
0x48: {  	[sflag:s13] =	ssyncadd.s32 $0xFFFFC000  }
0x49: {  	s21 =	simm.s32 $0x0;
	[bflag:$0x0] =	sbarrier.arrive $0xFFFF  }
.LBB2_6:
0x4a: {  	s22 =	sadd.s32 s21, s12  }
0x4b: {  	[tilespmem:s15], [sflag:$0x1] =	stream.linear.gather [hbm4b:s22+s4], $0x80, $0x38;
	[tilespmem:$0x1E900] =	vst v63  }
0x4c: {  	_ =	swait.ge [sflag:s13], $0x80  }
0x4d: {  	[sflag:s13] =	ssyncset.done $0x0  }
0x4e: {  	s22 =	sadd.s32 $0x10, s22;
	[sflag:s13] =	ssyncadd.s32 $0xFFFFFF80  }
0x4f: {  	[tilespmem:s16], [sflag:$0x1] =	stream.linear.gather [hbm4b:s22+s4], $0x80, $0x38;
	[tilespmem:$0x1E900] =	vst v63  }
0x50: {  	_ =	swait.ge [sflag:s13], $0x80  }
0x51: {  	[sflag:s13] =	ssyncset.done $0x0  }
0x52: {  	[sflag:s13] =	ssyncadd.s32 $0xFFFFFF80  }
0x53: {  	v10 =	vld [tilespmem:$0x2780];
	_ =	sdelay $0x7  }
0x54: {  	v10 =	vld.idx.msk [tilespmem:v10+s4+$0x0], $0xffff;
	_ =	sdelay $0x4  }
0x55: {  	v11 =	vadd.s32 v0, v10;
	_ =	sdelay $0x4  }
0x56: {  	[tilespmem:v11+s17+$0x0] =	vst.idx.msk $0xffff, v2  }
0x57: {  	v11 =	vld [tilespmem:$0x2790];
	_ =	sdelay $0x6  }
0x58: {  	[tilespmem:$0x6880] =	vst v10  }
0x59: {  	v10 =	vld.idx.msk [tilespmem:v11+s4+$0x0], $0xffff;
	_ =	sdelay $0x4  }
0x5a: {  	v11 =	vadd.s32 v3, v10;
	_ =	sdelay $0x4  }
0x5b: {  	[tilespmem:v11+s17+$0x0] =	vst.idx.msk $0xffff, v2  }
0x5c: {  	v11 =	vld [tilespmem:$0x27A0];
	_ =	sdelay $0x6  }
0x5d: {  	[tilespmem:$0x6890] =	vst v10  }
0x5e: {  	v10 =	vld.idx.msk [tilespmem:v11+s4+$0x0], $0xffff;
	_ =	sdelay $0x4  }
0x5f: {  	v11 =	vadd.s32 v4, v10;
	_ =	sdelay $0x4  }
0x60: {  	[tilespmem:v11+s17+$0x0] =	vst.idx.msk $0xffff, v2  }
0x61: {  	v11 =	vld [tilespmem:$0x27B0];
	_ =	sdelay $0x6  }
0x62: {  	[tilespmem:$0x68A0] =	vst v10  }
0x63: {  	v10 =	vld.idx.msk [tilespmem:v11+s4+$0x0], $0xffff;
	_ =	sdelay $0x4  }
0x64: {  	v11 =	vadd.s32 v5, v10;
	_ =	sdelay $0x4  }
0x65: {  	[tilespmem:v11+s17+$0x0] =	vst.idx.msk $0xffff, v2  }
0x66: {  	v11 =	vld [tilespmem:$0x27C0];
	_ =	sdelay $0x6  }
0x67: {  	[tilespmem:$0x68B0] =	vst v10  }
0x68: {  	v10 =	vld.idx.msk [tilespmem:v11+s4+$0x0], $0xffff;
	_ =	sdelay $0x4  }
0x69: {  	v11 =	vadd.s32 v6, v10;
	_ =	sdelay $0x4  }
0x6a: {  	[tilespmem:v11+s17+$0x0] =	vst.idx.msk $0xffff, v2  }
0x6b: {  	v11 =	vld [tilespmem:$0x27D0];
	_ =	sdelay $0x6  }
0x6c: {  	[tilespmem:$0x68C0] =	vst v10  }
0x6d: {  	v10 =	vld.idx.msk [tilespmem:v11+s4+$0x0], $0xffff;
	_ =	sdelay $0x4  }
0x6e: {  	v11 =	vadd.s32 v7, v10;
	_ =	sdelay $0x4  }
0x6f: {  	[tilespmem:v11+s17+$0x0] =	vst.idx.msk $0xffff, v2  }
0x70: {  	v11 =	vld [tilespmem:$0x27E0];
	_ =	sdelay $0x6  }
0x71: {  	[tilespmem:$0x68D0] =	vst v10  }
0x72: {  	v10 =	vld.idx.msk [tilespmem:v11+s4+$0x0], $0xffff;
	_ =	sdelay $0x4  }
0x73: {  	v11 =	vadd.s32 v8, v10;
	_ =	sdelay $0x4  }
0x74: {  	[tilespmem:v11+s17+$0x0] =	vst.idx.msk $0xffff, v2  }
0x75: {  	v11 =	vld [tilespmem:$0x27F0];
	_ =	sdelay $0x6  }
0x76: {  	[tilespmem:$0x68E0] =	vst v10  }
0x77: {  	v10 =	vld.idx.msk [tilespmem:v11+s4+$0x0], $0xffff;
	_ =	sdelay $0x4  }
0x78: {  	v11 =	vadd.s32 v9, v10;
	_ =	sdelay $0x4  }
0x79: {  	[tilespmem:v11+s17+$0x0] =	vst.idx.msk $0xffff, v2  }
0x7a: {  	[tilespmem:$0x68F0] =	vst v10  }
0x7b: {  	[spmem:s3] =	stream.indirect.scatter.add.f32 [tilespmem:s17], [sflag:$0x1], $0x80, s16, s18, $0xb8;
	[tilespmem:$0x1E900] =	vst v63  }
0x7c: {  	_ =	swait.ge [sflag:s13], $0x4000  }
0x7d: {  	[sflag:s13] =	ssyncset.done $0x0  }
0x7e: {  	[sflag:s13] =	ssyncadd.s32 $0xFFFFC000  }
0x7f: {  	v10 =	vld [tilespmem:$0x6880];
	_ =	sdelay $0x4  }
0x80: {  	v10 =	vadd.s32 v0, v10;
	_ =	sdelay $0x4  }
0x81: {  	[tilespmem:v10+s17+$0x0] =	vst.idx.msk $0xffff, v1  }
0x82: {  	v10 =	vld [tilespmem:$0x6890];
	_ =	sdelay $0x4  }
0x83: {  	v10 =	vadd.s32 v3, v10;
	_ =	sdelay $0x4  }
0x84: {  	[tilespmem:v10+s17+$0x0] =	vst.idx.msk $0xffff, v1  }
0x85: {  	v10 =	vld [tilespmem:$0x68A0];
	_ =	sdelay $0x4  }
0x86: {  	v10 =	vadd.s32 v4, v10;
	_ =	sdelay $0x4  }
0x87: {  	[tilespmem:v10+s17+$0x0] =	vst.idx.msk $0xffff, v1  }
0x88: {  	v10 =	vld [tilespmem:$0x68B0];
	_ =	sdelay $0x4  }
0x89: {  	v10 =	vadd.s32 v5, v10;
	_ =	sdelay $0x4  }
0x8a: {  	[tilespmem:v10+s17+$0x0] =	vst.idx.msk $0xffff, v1  }
0x8b: {  	v10 =	vld [tilespmem:$0x68C0];
	_ =	sdelay $0x4  }
0x8c: {  	v10 =	vadd.s32 v6, v10;
	_ =	sdelay $0x4  }
0x8d: {  	[tilespmem:v10+s17+$0x0] =	vst.idx.msk $0xffff, v1  }
0x8e: {  	v10 =	vld [tilespmem:$0x68D0];
	_ =	sdelay $0x4  }
0x8f: {  	v10 =	vadd.s32 v7, v10;
	_ =	sdelay $0x4  }
0x90: {  	[tilespmem:v10+s17+$0x0] =	vst.idx.msk $0xffff, v1  }
0x91: {  	v10 =	vld [tilespmem:$0x68E0];
	_ =	sdelay $0x4  }
0x92: {  	v10 =	vadd.s32 v8, v10;
	_ =	sdelay $0x4  }
0x93: {  	[tilespmem:v10+s17+$0x0] =	vst.idx.msk $0xffff, v1  }
0x94: {  	v10 =	vld [tilespmem:$0x68F0];
	_ =	sdelay $0x4  }
0x95: {  	p0 =	sne.s32 s21, $0x9C0;
	v10 =	vadd.s32 v9, v10  }
.Ltmp2:
0x96: {  	_ = 	snop;
	(pc) =	sbr.rel @p0 .LBB2_6-.Ltmp2, $2  }
0x97: {  	_ =	sdelay $0x2  }
0x98: {  	s21 =	sadd.s32 $0x20, s21;
	[tilespmem:v10+s17+$0x0] =	vst.idx.msk $0xffff, v1  }
0x99: {  	s20 =	sadd.s32 $0x1, s20  }
0x9a: {  	p0 =	sne.s32 s20, s11  }
.Ltmp3:
0x9b: {  	[bflag:$0x0] =	sbarrier.arrive $0xFFFF;
	s21 =	sshrl.u32 s5, $0x3;
	(pc) =	sbr.rel @p0 .LBB2_1-.Ltmp3, $4  }
0x9c: {  	[hbm:s10], [sflag:s19] =	dma.local [spmem:s21], $0x2800  }
0x9d: {  	_ =	swait.ge [sflag:s13], $0x2800  }
0x9e: {  	[sflag:s13] =	ssyncset.done $0x0  }
0x9f: {  	[sflag:s13] =	ssyncadd.s32 $0xFFFFD800  }
0xa0: {  	_ =	sfence.sel $0x180000  }
0xa1: {  	[bflag:$0x0] =	sbarrier.arrive $0xFFFF  }
0xa2: {  	p0 =	sne.s32 s0, $0x0;
	_ =	strace $0x90000047  }
0xa3: {  	s0 =	sadd.s32 @!p0 $0x100000, s2;
	[bflag:$0x2] =	sbarrier.arrive $0xFFFF  }
0xa4: {  	[sflag:s0] =	ssyncadd.tile.s32 @!p0 $0x1;
	_ =	shalt  }
.Lfunc_end2:
_tile_overlayer_lowered:
.L_overlay_start_2:
0xa5: {  	(tag) =	ssettag $0x2  }
0xa6: {  	s0 =	rddreg [dreg:$0x0];
	s2 =	stileid.u32  }
0xa7: {  	s1 =	rddreg [dreg:$0x1];
	p0 =	sne.s32 s2, $0x0  }
0xa8: {  	s3 =	rddreg [dreg:$0x2];
	[bflag:$0x3] =	sbarrier.arrive $0xFFFF;
	s2 =	simm.s32 @!p0 $0x1C01  }
0xa9: {  	[timem:s3], [sflag:s2] =	dma.local @!p0 [hbm:s0], s1  }
0xaa: {  	s0 =	simm.s32 @!p0 $0x1  }
0xab: {  	_ =	swait.ge @!p0 [sflag:s0], s1  }
0xac: {  	s1 =	ssub.s32 @!p0 $0x0, s1;
	[sflag:s0] =	ssyncset.done @!p0 $0x0  }
0xad: {  	[sflag:s0] =	ssyncadd.s32 @!p0 s1  }
0xae: {  	[bflag:$0x3] =	sbarrier.arrive $0xFFFF  }
0xaf: {  	_ =	shalt  }

// kernel: kernel.13.cloned.1.call-start
scs
__scs_entry_jumppad:
0x0: {  	(pc) =	sbr.rel $0x88, $3  }
0x1: {  	(tag) =	ssettag $0x0;
	lr =	simm.s32 $0x1  }
0x2: {  	[smem:$0x3F90] =	sst lr;
	_ =	strace $0xD0000000  }
0x3: {  	_ = 	snop  }
0x4: {  	_ = 	snop  }
0x5: {  	_ = 	snop  }
0x6: {  	_ = 	snop  }
0x7: {  	_ = 	snop  }
__scs_overlays_trampoline_lowered:
0x8: {  	[smem:$0x3F9F] =	sst s0  }
0x9: {  	[smem:$0x3FA0] =	sst s1  }
0xa: {  	[smem:$0x3FA1] =	sst s2  }
0xb: {  	[smem:$0x3FA2] =	sst s3  }
0xc: {  	[smem:$0x3FA3] =	sst s4  }
0xd: {  	[smem:$0x3FA4] =	sst s5  }
0xe: {  	[smem:$0x3FA5] =	sst s6  }
0xf: {  	[smem:$0x3FA6] =	sst s7  }
0x10: {  	[smem:$0x3FA7] =	sst s8  }
0x11: {  	[smem:$0x3FA8] =	sst s9;
	s0 =	simm.s32 @!p0 $0x0  }
0x12: {  	s1 =	sld [smem:$0x3F8E];
	s0 =	simm.s32 @p0 $0x1  }
0x13: {  	[smem:$0x3FA9] =	sst s0;
	s0 =	simm.s32 @!p1 $0x0  }
0x14: {  	s2 =	sld [smem:$0x3F8D];
	s0 =	simm.s32 @p1 $0x1  }
0x15: {  	[smem:$0x3FAA] =	sst s0;
	s0 =	simm.s32 @!p2 $0x0  }
0x16: {  	s3 =	sld [smem:$0x3FDB];
	s0 =	simm.s32 @p2 $0x1  }
0x17: {  	s4 =	simm.s32 $0x1BF5;
	[smem:$0x3FAC] =	sst s0  }
0x18: {  	s0 =	sld [smem:$0x3F8F];
	_ =	swait.ge [sflag:s4], $0x0  }
0x19: {  	s7 =	sld [smem:$0x3F90]  }
0x1a: {  	s8 =	sadd.s32 $0xFFFFE003, lr  }
0x1b: {  	s9 =	sadd.s32 $0xFFFFFEF7, lr;
	s5 =	simm.s32 $0xFFFFFFFF;
	p2 =	slt.u32 s8, $0xFFFFF086  }
0x1c: {  	p1 =	slt.u32 s9, $0xF7A;
	s5 =	simm.s32 @!p2 $0x0  }
0x1d: {  	s5 =	simm.s32 @p1 $0x1;
	p0 =	seq.s32 s7, s2  }
0x1e: {  	s7 =	smul.u32 @!p0 $0xF7A, s2;
	p2 =	seq.s32 @!p0 s5, $0x0  }
0x1f: {  	s9 =	smul.u32 $0xF7A, s1;
	s8 =	simm.s32 @!p0 $0x1BF5;
	p2 =	por !p2, p0  }
0x20: {  	[sflag:s8] =	ssyncset.s32 @!p0 $0xFFFFF086;
	s6 =	sadd.s32 @!p0 s3, s7;
	s7 =	simm.s32 @!p0 $0x108  }
0x21: {  	s3 =	sadd.s32 s3, s9;
	s6 =	sadd.s32 @!p0 $0x88, s6;
	s7 =	simm.s32 @p2 $0x1082  }
0x22: {  	[simem:s7], [sflag:s8] =	dma.local @!p0 [hbm:s6], $0xF7A  }
0x23: {  	s9 =	sor.u32 $0xD0000000, s2;
	s6 =	simm.s32 $0x108;
	_ =	swait.ge @!p0 [sflag:s8], $0x0  }
0x24: {  	s3 =	sadd.s32 $0x88, s3;
	s6 =	simm.s32 @!p1 $0x1082;
	[sflag:s4] =	ssyncset.s32 $0xFFFFF086  }
0x25: {  	[simem:s6], [sflag:s4] =	dma.local [hbm:s3], $0xF7A  }
0x26: {  	[smem:$0x3F90] =	sst s1;
	(tag) =	ssettag s2;
	_ =	strace s9  }
0x27: {  	s1 =	sld [smem:$0x3FA0]  }
0x28: {  	s2 =	sld [smem:$0x3FA1]  }
0x29: {  	s4 =	sld [smem:$0x3FA3]  }
0x2a: {  	p0 =	seq.s32 s5, $0x0;
	s5 =	sld [smem:$0x3FA4]  }
0x2b: {  	s6 =	sld [smem:$0x3FA5]  }
0x2c: {  	s7 =	sld [smem:$0x3FA6]  }
0x2d: {  	s3 =	simm.s32 $0x108;
	s8 =	sld [smem:$0x3FA7]  }
0x2e: {  	s3 =	simm.s32 @!p0 $0x1082;
	s9 =	sld [smem:$0x3FA8]  }
0x2f: {  	lr =	sadd.s32 s0, s3;
	s0 =	sld [smem:$0x3F9F]  }
0x30: {  	s3 =	sld [smem:$0x3FA2]  }
0x31: {  	[smem:$0x3FAB] =	sst s10  }
0x32: {  	s10 =	sld [smem:$0x3FA9];
	_ =	sdelay $0x3  }
0x33: {  	p0 =	seq.s32 s10, $0x1;
	s10 =	sld [smem:$0x3FAB];
	_ =	sdelay $0x3  }
0x34: {  	[smem:$0x3FAB] =	sst s10  }
0x35: {  	s10 =	sld [smem:$0x3FAA];
	_ =	sdelay $0x3  }
0x36: {  	p1 =	seq.s32 s10, $0x1;
	s10 =	sld [smem:$0x3FAB];
	_ =	sdelay $0x3  }
0x37: {  	[smem:$0x3FAB] =	sst s10  }
0x38: {  	s10 =	sld [smem:$0x3FAC]  }
0x39: {  	_ = 	snop;
	(pc) =	sbr.ind lr, $3  }
0x3a: {  	_ = 	snop  }
0x3b: {  	_ = 	snop  }
0x3c: {  	p2 =	seq.s32 s10, $0x1;
	s10 =	sld [smem:$0x3FAB]  }
0x3d: {  	_ =	shalt  }
0x3e: {  	_ =	shalt  }
0x3f: {  	_ =	shalt  }
0x40: {  	_ =	shalt  }
0x41: {  	_ =	shalt  }
0x42: {  	_ =	shalt  }
0x43: {  	_ =	shalt  }
0x44: {  	_ =	shalt  }
0x45: {  	_ =	shalt  }
0x46: {  	_ =	shalt  }
0x47: {  	_ =	shalt  }
0x48: {  	_ =	shalt  }
0x49: {  	_ =	shalt  }
0x4a: {  	_ =	shalt  }
0x4b: {  	_ =	shalt  }
0x4c: {  	_ =	shalt  }
0x4d: {  	_ =	shalt  }
0x4e: {  	_ =	shalt  }
0x4f: {  	_ =	shalt  }
0x50: {  	_ =	shalt  }
0x51: {  	_ =	shalt  }
0x52: {  	_ =	shalt  }
0x53: {  	_ =	shalt  }
0x54: {  	_ =	shalt  }
0x55: {  	_ =	shalt  }
0x56: {  	_ =	shalt  }
0x57: {  	_ =	shalt  }
0x58: {  	_ =	shalt  }
0x59: {  	_ =	shalt  }
0x5a: {  	_ =	shalt  }
0x5b: {  	_ =	shalt  }
0x5c: {  	_ =	shalt  }
0x5d: {  	_ =	shalt  }
0x5e: {  	_ =	shalt  }
0x5f: {  	_ =	shalt  }
0x60: {  	_ =	shalt  }
0x61: {  	_ =	shalt  }
0x62: {  	_ =	shalt  }
0x63: {  	_ =	shalt  }
0x64: {  	_ =	shalt  }
0x65: {  	_ =	shalt  }
0x66: {  	_ =	shalt  }
0x67: {  	_ =	shalt  }
0x68: {  	_ =	shalt  }
0x69: {  	_ =	shalt  }
0x6a: {  	_ =	shalt  }
0x6b: {  	_ =	shalt  }
0x6c: {  	_ =	shalt  }
0x6d: {  	_ =	shalt  }
0x6e: {  	_ =	shalt  }
0x6f: {  	_ =	shalt  }
0x70: {  	_ =	shalt  }
0x71: {  	_ =	shalt  }
0x72: {  	_ =	shalt  }
0x73: {  	_ =	shalt  }
0x74: {  	_ =	shalt  }
0x75: {  	_ =	shalt  }
0x76: {  	_ =	shalt  }
0x77: {  	_ =	shalt  }
0x78: {  	_ =	shalt  }
0x79: {  	_ =	shalt  }
0x7a: {  	_ =	shalt  }
0x7b: {  	_ =	shalt  }
0x7c: {  	_ =	shalt  }
0x7d: {  	_ =	shalt  }
0x7e: {  	_ =	shalt  }
0x7f: {  	_ =	shalt  }
0x80: {  	_ =	shalt  }
0x81: {  	_ =	shalt  }
0x82: {  	_ =	shalt  }
0x83: {  	_ =	shalt  }
0x84: {  	_ =	shalt  }
0x85: {  	_ =	shalt  }
0x86: {  	_ =	shalt  }
0x87: {  	_ =	shalt  }
.Lfunc_end0:
.L_simem_size_0:
called_computation.1_lowered:
.L_overlay_start_0:
0x88: {  	s2 =	sld [smem:$0x3FD9]  }
0x89: {  	s3 =	sld [smem:$0x3FFE];
	_ =	sdelay $0x1  }
0x8a: {  	s1 =	srdreg.scid  }
0x8b: {  	s0 =	sand.u32 $0x1, s1  }
0x8c: {  	s16 =	sshll.u32 s0, $0xA;
	s2 =	sadd.s32 s3, s2  }
0x8d: {  	s2 =	sadd.s32 s2, s16  }
0x8e: {  	[smem:$0x3FB7] =	sst s2  }
0x8f: {  	_ = 	snop  }
0x90: {  	(tm) =	ssettm $0x1  }
0x91: {  	s17 =	sld [smem:$0x3FFB];
	_ =	sdelay $0x3  }
0x92: {  	_ =	strace s17  }
0x93: {  	s2 =	sld [smem:$0x3FFC];
	_ =	sdelay $0x3  }
0x94: {  	_ =	strace s2  }
0x95: {  	s2 =	sld [smem:$0x3FFD];
	_ =	sdelay $0x3  }
0x96: {  	_ =	strace s2  }
0x97: {  	_ =	strace $0x8FFFFFFF  }
0x98: {  	s18 =	sld [smem:$0x3FDB];
	_ =	sdelay $0x1  }
0x99: {  	s19 =	simm.s32 $_scs_section_size  }
0x9a: {  	s4 =	simm.s32 $_size__tile_overlayer_lowered;
	s5 =	simm.s32 $_tile_overlayer_lowered  }
0x9b: {  	s22 =	simm.s32 $0x1BFF;
	s21 =	sshll.u32 s5, $0x1;
	s2 =	sadd.s32 s19, s18  }
0x9c: {  	s6 =	simm.s32 $0x0;
	s20 =	sshll.u32 s4, $0x1;
	s4 =	sadd.s32 s21, s2  }
0x9d: {  	[timem:s6], [sflag:s22] =	dma.local [hbm:s4], s20  }
0x9e: {  	_ =	swait.ge [sflag:s22], s20  }
0x9f: {  	s3 =	ssub.s32 $0x0, s20;
	[sflag:s22] =	ssyncset.done $0x0  }
0xa0: {  	[sflag:s22] =	ssyncadd.s32 s3;
	_ =	sdelay $0x1  }
0xa1: {  	s23 =	simm.s32 $0x1B8B  }
0xa2: {  	_ =	swait.ge [sflag:s23], $0x1  }
0xa3: {  	[sflag:s23] =	ssyncset.done $0x0  }
0xa4: {  	s25 =	simm.s32 $0x1B8E;
	s24 =	sld [smem:$0x3FFE];
	[sflag:s23] =	ssyncadd.s32 $0xFFFFFFFF  }
0xa5: {  	s26 =	simm.s32 $execute0_lowered;
	[smem:$0x3FD2] =	sst s25  }
0xa6: {  	s4 =	sshll.u32 s26, $0x1;
	_ =	strace $0x80000049;
	[dreg:$0x1] =	wrdreg $0xFFFFFFFF  }
0xa7: {  	s28 =	simm.s32 $_size_execute0_lowered;
	s2 =	sadd.s32 s2, s4;
	[dreg:$0x0] =	wrdreg $0x0  }
0xa8: {  	s4 =	sshll.u32 s28, $0x1;
	[dreg:$0x2] =	wrdreg s2  }
0xa9: {  	[dreg:$0x3] =	wrdreg s4  }
0xaa: {  	[dreg:$0x4] =	wrdreg $0xC0  }
0xab: {  	_ =	task [dreg:s6], $0x5FFFF  }
0xac: {  	[dreg:$0x1] =	wrdreg $0xFFFFFFFF  }
0xad: {  	[dreg:$0x0] =	wrdreg $0x60  }
0xae: {  	[dreg:$0x2] =	wrdreg s24  }
0xaf: {  	[dreg:$0x3] =	wrdreg $0x81000  }
0xb0: {  	[dreg:$0x4] =	wrdreg $0x9  }
0xb1: {  	_ =	task.clear_ibuf [dreg:s6], $0x5FFFF;
	_ =	strace $0x90000049  }
0xb2: {  	s29 =	simm.s32 $0x9;
	_ =	strace $0x8000004B  }
0xb3: {  	_ =	swait.ge [sflag:s29], $0x1  }
0xb4: {  	[sflag:s29] =	ssyncadd.s32 $0xFFFFFFFF  }
0xb5: {  	_ =	strace $0x9000004B  }
0xb6: {  	_ =	sfence  }
0xb7: {  	s30 =	sld [smem:$0x0];
	_ =	sdelay $0x2  }
0xb8: {  	s31 =	sshll.u32 s1, $0xD;
	s1 =	sshrl.u32 s1, $0x2  }
0xb9: {  	s3 =	sand.u32 $0x4000, s31;
	s1 =	sadd.s32 s1, s30  }
0xba: {  	s0 =	sor.u32 s3, s0;
	s1 =	sshll.u32 s1, $0x11  }
0xbb: {  	s0 =	sor.u32 s1, s0  }
0xbc: {  	s0 =	sadd.s32 $0x8F2B, s0  }
0xbd: {  	[sflag:s0] =	ssyncadd.remote.s32 $0x1  }
0xbe: {  	_ =	sfence.sel $0xFFFF  }
0xbf: {  	[dreg:$0x0] =	wrdreg $0xFFFFFFFF;
	(pc) =	sbr.abs _section_cstart, $3  }
0xc0: {  	[dreg:$0x1] =	wrdreg $0xFFFFFFFF  }
0xc1: {  	_ =	task.clear_ibuf [dreg:s6], $0x2FFFF;
	_ =	strace $0x9FFFFFFF  }
0xc2: {  	(tm) =	ssettm $0x7FFFFFFF  }
0xc3: {  	_ =	shalt  }
tec
execute0_lowered:
.L_overlay_start_1:
0x0: {  	(tag) =	ssettag $0x1  }
0x1: {  	s5 =	rddreg [dreg:$0x0];
	s0 =	srdreg.scid  }
0x2: {  	s2 =	rddreg [dreg:$0x1];
	s1 =	stileid.u32;
	s3 =	simm.s32 $0x0  }
0x3: {  	s14 =	simm.s32 $0x2;
	s15 =	simm.s32 $0x80;
	s7 =	smul.u32 $0x14000, s1  }
0x4: {  	s16 =	simm.s32 $0x100;
	s17 =	simm.s32 $0x1;
	s9 =	smul.u32 $0x50000, s1  }
0x5: {  	s6 =	sand.u32 $0x1, s0;
	s0 =	rddreg [dreg:$0x2];
	s12 =	smul.u32 $0x9E0, s1  }
0x6: {  	s20 =	simm.s32 $0x0;
	[smem:$0x7FF] =	sst s3;
	s4 =	smul.u32 $0x140000, s6  }
0x7: {  	s18 =	sshll.u32 s1, $0x6;
	s8 =	smul.u32 $0x9E00, s6;
	_ =	strace $0x8000004A  }
0x8: {  	s6 =	ssub.s32 $0x2, s6;
	s18 =	sor.u32 $0x1C02, s18;
	s30 =	sshrl.u32 s9, $0x2  }
0x9: {  	s31 =	sshrl.u32 s6, $0x1;
	s7 =	sadd.s32 s7, s4;
	s4 =	sadd.s32 $0x18600, s5  }
0xa: {  	s10 =	sadd.s32 s8, s5;
	s13 =	ssub.s32 s6, s31;
	s7 =	sshrl.u32 s7, $0x3  }
0xb: {  	s12 =	sadd.s32 s12, s10;
	s11 =	sadd.s32 s7, s5;
	s5 =	sadd.s32 s30, s2  }
0xc: {  	s12 =	sadd.s32 $0x4A00, s12;
	s6 =	sadd.s32 $0x4000, s5;
	s7 =	sadd.s32 $0x8000, s5  }
0xd: {  	s8 =	sadd.s32 $0xC000, s5;
	s9 =	sadd.s32 $0x10000, s5;
	s10 =	sadd.s32 $0x3F800, s11  }
0xe: {  	v0 =	vimm.f32 $0.0e+00;
	s11 =	smax.u32 s13, $0x1;
	s13 =	simm.s32 $0x4100;
	s19 =	sshrl.u32 s5, $0x3  }
.LBB2_1:
0xf: {  	s21 =	simm.s32 $0x0;
	s22 =	simm.s32 $0x200  }
.LBB2_2:
0x10: {  	p0 =	sne.s32 s22, $0xFE00;
	[tilespmem:s21+$0x4170] =	vst v0  }
0x11: {  	[tilespmem:s21+$0x4100] =	vst v0  }
0x12: {  	[tilespmem:s21+$0x4110] =	vst v0  }
.Ltmp0:
0x13: {  	[tilespmem:s21+$0x4120] =	vst v0;
	(pc) =	sbr.rel @p0 .LBB2_2-.Ltmp0, $4  }
0x14: {  	[tilespmem:s21+$0x4130] =	vst v0  }
0x15: {  	[tilespmem:s21+$0x4140] =	vst v0  }
0x16: {  	[tilespmem:s21+$0x4150] =	vst v0  }
0x17: {  	[tilespmem:s21+$0x4160] =	vst v0;
	s21 =	sshra.s32 s22, $0x2;
	s22 =	sadd.s32 $0x200, s22  }
0x18: {  	[tilespmem:s21+$0x4170] =	vst v0  }
0x19: {  	[tilespmem:s21+$0x4100] =	vst v0  }
0x1a: {  	[tilespmem:s21+$0x4110] =	vst v0  }
0x1b: {  	[tilespmem:s21+$0x4120] =	vst v0  }
0x1c: {  	[tilespmem:s21+$0x4130] =	vst v0  }
0x1d: {  	[tilespmem:s21+$0x4140] =	vst v0  }
0x1e: {  	[tilespmem:s21+$0x4150] =	vst v0  }
0x1f: {  	[tilespmem:s21+$0x4160] =	vst v0  }
0x20: {  	[spmem:s5] =	stream.linear.scatter [tilespmem:s13], [sflag:$0x2], $0x4000, $0x38;
	[tilespmem:$0x1C100] =	vst v63  }
0x21: {  	_ =	swait.ge [sflag:s14], $0x4000  }
0x22: {  	[sflag:s14] =	ssyncset.done $0x0  }
0x23: {  	[sflag:s14] =	ssyncadd.s32 $0xFFFFC000  }
0x24: {  	[spmem:s6] =	stream.linear.scatter [tilespmem:s13], [sflag:$0x2], $0x4000, $0x38;
	[tilespmem:$0x1C100] =	vst v63  }
0x25: {  	_ =	swait.ge [sflag:s14], $0x4000  }
0x26: {  	[sflag:s14] =	ssyncset.done $0x0  }
0x27: {  	[sflag:s14] =	ssyncadd.s32 $0xFFFFC000  }
0x28: {  	[spmem:s7] =	stream.linear.scatter [tilespmem:s13], [sflag:$0x2], $0x4000, $0x38;
	[tilespmem:$0x1C100] =	vst v63  }
0x29: {  	_ =	swait.ge [sflag:s14], $0x4000  }
0x2a: {  	[sflag:s14] =	ssyncset.done $0x0  }
0x2b: {  	[sflag:s14] =	ssyncadd.s32 $0xFFFFC000  }
0x2c: {  	[spmem:s8] =	stream.linear.scatter [tilespmem:s13], [sflag:$0x2], $0x4000, $0x38;
	[tilespmem:$0x1C100] =	vst v63  }
0x2d: {  	_ =	swait.ge [sflag:s14], $0x4000  }
0x2e: {  	[sflag:s14] =	ssyncset.done $0x0  }
0x2f: {  	[sflag:s14] =	ssyncadd.s32 $0xFFFFC000  }
0x30: {  	[spmem:s9] =	stream.linear.scatter [tilespmem:s13], [sflag:$0x2], $0x4000, $0x38;
	[tilespmem:$0x1C100] =	vst v63  }
0x31: {  	_ =	swait.ge [sflag:s14], $0x4000  }
0x32: {  	[sflag:s14] =	ssyncset.done $0x0  }
0x33: {  	[sflag:s14] =	ssyncadd.s32 $0xFFFFC000  }
0x34: {  	s31 =	sadd.s32 $0x0, s12;
	[bflag:$0x0] =	sbarrier.arrive $0xFFFF  }
0x35: {  	[tilespmem:s3], [sflag:$0x2] =	stream.linear.gather [hbm4b:s31+s3], $0x80, $0x38;
	[tilespmem:$0x1C100] =	vst v63  }
0x36: {  	_ =	swait.ge [sflag:s14], $0x80  }
0x37: {  	[sflag:s14] =	ssyncset.done $0x0  }
0x38: {  	s21 =	sadd.s32 $0x10, s31;
	[sflag:s14] =	ssyncadd.s32 $0xFFFFFF80  }
0x39: {  	[tilespmem:s15], [sflag:$0x2] =	stream.linear.gather [hbm4b:s21+s3], $0x80, $0x38;
	[tilespmem:$0x1C100] =	vst v63  }
0x3a: {  	_ =	swait.ge [sflag:s14], $0x80  }
0x3b: {  	[sflag:s14] =	ssyncset.done $0x0  }
0x3c: {  	[sflag:s14] =	ssyncadd.s32 $0xFFFFFF80  }
0x3d: {  	[tilespmem:s16], [sflag:$0x1] =	stream.indirect.gather [hbm4b:s4+s15], $0x80, s3, s15, $0xb8;
	[tilespmem:$0x1C100] =	vst v63  }
0x3e: {  	_ =	swait.ge [sflag:s17], $0x4000  }
0x3f: {  	[sflag:s17] =	ssyncset.done $0x0  }
0x40: {  	[sflag:s17] =	ssyncadd.s32 $0xFFFFC000  }
0x41: {  	[spmem:s2] =	stream.indirect.scatter.add.f32 [tilespmem:s16], [sflag:$0x2], $0x80, s15, s15, $0xb8;
	[tilespmem:$0x1C100] =	vst v63  }
0x42: {  	_ =	swait.ge [sflag:s14], $0x4000  }
0x43: {  	s22 =	simm.s32 $0x40;
	s21 =	simm.s32 $0x20;
	[sflag:s14] =	ssyncset.done $0x0  }
.LBB2_4:
0x44: {  	s23 =	sadd.s32 s21, s12  }
0x45: {  	[sflag:s14] =	ssyncadd.s32 $0xFFFFC000;
	s21 =	smov.u32 s22;
	s24 =	sadd.s32 $0x20, s22  }
0x46: {  	[tilespmem:s3], [sflag:$0x2] =	stream.linear.gather [hbm4b:s23+s3], $0x80, $0x38;
	[tilespmem:$0x1C100] =	vst v63  }
0x47: {  	p0 =	sne.s32 s22, $0x9C0;
	_ =	swait.ge [sflag:s14], $0x80  }
0x48: {  	[sflag:s14] =	ssyncset.done $0x0  }
0x49: {  	s22 =	sadd.s32 $0x10, s23;
	[sflag:s14] =	ssyncadd.s32 $0xFFFFFF80  }
0x4a: {  	[tilespmem:s15], [sflag:$0x2] =	stream.linear.gather [hbm4b:s22+s3], $0x80, $0x38;
	[tilespmem:$0x1C100] =	vst v63  }
0x4b: {  	_ =	swait.ge [sflag:s14], $0x80  }
0x4c: {  	[sflag:s14] =	ssyncset.done $0x0  }
0x4d: {  	[sflag:s14] =	ssyncadd.s32 $0xFFFFFF80  }
0x4e: {  	[tilespmem:s16], [sflag:$0x1] =	stream.indirect.gather [hbm4b:s4+s15], $0x80, s3, s15, $0xb8;
	[tilespmem:$0x1C100] =	vst v63  }
0x4f: {  	_ =	swait.ge [sflag:s17], $0x4000  }
.Ltmp1:
0x50: {  	[sflag:s17] =	ssyncset.done $0x0;
	(pc) =	sbr.rel @p0 .LBB2_4-.Ltmp1, $4  }
0x51: {  	[sflag:s17] =	ssyncadd.s32 $0xFFFFC000  }
0x52: {  	[spmem:s2] =	stream.indirect.scatter.add.f32 [tilespmem:s16], [sflag:$0x2], $0x80, s15, s15, $0xb8;
	[tilespmem:$0x1C100] =	vst v63  }
0x53: {  	_ =	swait.ge [sflag:s14], $0x4000  }
0x54: {  	s22 =	smov.u32 s24;
	[sflag:s14] =	ssyncset.done $0x0  }
0x55: {  	s21 =	sadd.s32 s21, s12;
	[sflag:s14] =	ssyncadd.s32 $0xFFFFC000  }
0x56: {  	[tilespmem:s3], [sflag:$0x2] =	stream.linear.gather [hbm4b:s21+s3], $0x80, $0x38;
	[tilespmem:$0x1C100] =	vst v63  }
0x57: {  	_ =	swait.ge [sflag:s14], $0x80  }
0x58: {  	[sflag:s14] =	ssyncset.done $0x0  }
0x59: {  	s21 =	sadd.s32 $0x10, s21;
	[sflag:s14] =	ssyncadd.s32 $0xFFFFFF80  }
0x5a: {  	[tilespmem:s15], [sflag:$0x2] =	stream.linear.gather [hbm4b:s21+s3], $0x80, $0x38;
	[tilespmem:$0x1C100] =	vst v63  }
0x5b: {  	_ =	swait.ge [sflag:s14], $0x80  }
0x5c: {  	[sflag:s14] =	ssyncset.done $0x0  }
0x5d: {  	[sflag:s14] =	ssyncadd.s32 $0xFFFFFF80  }
0x5e: {  	[tilespmem:s16], [sflag:$0x1] =	stream.indirect.gather [hbm4b:s4+s15], $0x80, s3, s15, $0xb8;
	[tilespmem:$0x1C100] =	vst v63  }
0x5f: {  	_ =	swait.ge [sflag:s17], $0x4000  }
0x60: {  	[sflag:s17] =	ssyncset.done $0x0  }
0x61: {  	[sflag:s17] =	ssyncadd.s32 $0xFFFFC000  }
0x62: {  	[spmem:s2] =	stream.indirect.scatter.add.f32 [tilespmem:s16], [sflag:$0x2], $0x80, s15, s15, $0xb8;
	[tilespmem:$0x1C100] =	vst v63  }
0x63: {  	_ =	swait.ge [sflag:s14], $0x4000  }
0x64: {  	s20 =	sadd.s32 $0x1, s20;
	[sflag:s14] =	ssyncset.done $0x0  }
0x65: {  	p0 =	sne.s32 s20, s11;
	[sflag:s14] =	ssyncadd.s32 $0xFFFFC000  }
.Ltmp2:
0x66: {  	[bflag:$0x0] =	sbarrier.arrive $0xFFFF;
	(pc) =	sbr.rel @p0 .LBB2_1-.Ltmp2, $4  }
0x67: {  	[hbm:s10], [sflag:s18] =	dma.local [spmem:s19], $0x2800  }
0x68: {  	_ =	swait.ge [sflag:s14], $0x2800  }
0x69: {  	[sflag:s14] =	ssyncset.done $0x0  }
0x6a: {  	[sflag:s14] =	ssyncadd.s32 $0xFFFFD800  }
0x6b: {  	_ =	sfence.sel $0x180000  }
0x6c: {  	[bflag:$0x0] =	sbarrier.arrive $0xFFFF  }
0x6d: {  	p0 =	sne.s32 s1, $0x0;
	_ =	strace $0x9000004A  }
0x6e: {  	s0 =	sadd.s32 @!p0 $0x100000, s0;
	[bflag:$0x2] =	sbarrier.arrive $0xFFFF  }
0x6f: {  	[sflag:s0] =	ssyncadd.tile.s32 @!p0 $0x1;
	_ =	shalt  }
.Lfunc_end2:
_tile_overlayer_lowered:
.L_overlay_start_2:
0x70: {  	(tag) =	ssettag $0x2  }
0x71: {  	s0 =	rddreg [dreg:$0x0];
	s2 =	stileid.u32  }
0x72: {  	s1 =	rddreg [dreg:$0x1];
	p0 =	sne.s32 s2, $0x0  }
0x73: {  	s3 =	rddreg [dreg:$0x2];
	[bflag:$0x3] =	sbarrier.arrive $0xFFFF;
	s2 =	simm.s32 @!p0 $0x1C02  }
0x74: {  	[timem:s3], [sflag:s2] =	dma.local @!p0 [hbm:s0], s1  }
0x75: {  	s0 =	simm.s32 @!p0 $0x2  }
0x76: {  	_ =	swait.ge @!p0 [sflag:s0], s1  }
0x77: {  	s1 =	ssub.s32 @!p0 $0x0, s1;
	[sflag:s0] =	ssyncset.done @!p0 $0x0  }
0x78: {  	[sflag:s0] =	ssyncadd.s32 @!p0 s1  }
0x79: {  	[bflag:$0x3] =	sbarrier.arrive $0xFFFF  }
0x7a: {  	_ =	shalt  }

// kernel: kernel.16.cloned.1.call-start
scs
__scs_entry_jumppad:
0x0: {  	(pc) =	sbr.rel $0x88, $3  }
0x1: {  	(tag) =	ssettag $0x0;
	lr =	simm.s32 $0x1  }
0x2: {  	[smem:$0x3F90] =	sst lr;
	_ =	strace $0xD0000000  }
0x3: {  	_ = 	snop  }
0x4: {  	_ = 	snop  }
0x5: {  	_ = 	snop  }
0x6: {  	_ = 	snop  }
0x7: {  	_ = 	snop  }
__scs_overlays_trampoline_lowered:
0x8: {  	[smem:$0x3F9F] =	sst s0  }
0x9: {  	[smem:$0x3FA0] =	sst s1  }
0xa: {  	[smem:$0x3FA1] =	sst s2  }
0xb: {  	[smem:$0x3FA2] =	sst s3  }
0xc: {  	[smem:$0x3FA3] =	sst s4  }
0xd: {  	[smem:$0x3FA4] =	sst s5  }
0xe: {  	[smem:$0x3FA5] =	sst s6  }
0xf: {  	[smem:$0x3FA6] =	sst s7  }
0x10: {  	[smem:$0x3FA7] =	sst s8  }
0x11: {  	[smem:$0x3FA8] =	sst s9;
	s0 =	simm.s32 @!p0 $0x0  }
0x12: {  	s1 =	sld [smem:$0x3F8E];
	s0 =	simm.s32 @p0 $0x1  }
0x13: {  	[smem:$0x3FA9] =	sst s0;
	s0 =	simm.s32 @!p1 $0x0  }
0x14: {  	s2 =	sld [smem:$0x3F8D];
	s0 =	simm.s32 @p1 $0x1  }
0x15: {  	[smem:$0x3FAA] =	sst s0;
	s0 =	simm.s32 @!p2 $0x0  }
0x16: {  	s3 =	sld [smem:$0x3FDB];
	s0 =	simm.s32 @p2 $0x1  }
0x17: {  	s4 =	simm.s32 $0x1BF5;
	[smem:$0x3FAC] =	sst s0  }
0x18: {  	s0 =	sld [smem:$0x3F8F];
	_ =	swait.ge [sflag:s4], $0x0  }
0x19: {  	s7 =	sld [smem:$0x3F90]  }
0x1a: {  	s8 =	sadd.s32 $0xFFFFE003, lr  }
0x1b: {  	s9 =	sadd.s32 $0xFFFFFEF7, lr;
	s5 =	simm.s32 $0xFFFFFFFF;
	p2 =	slt.u32 s8, $0xFFFFF086  }
0x1c: {  	p1 =	slt.u32 s9, $0xF7A;
	s5 =	simm.s32 @!p2 $0x0  }
0x1d: {  	s5 =	simm.s32 @p1 $0x1;
	p0 =	seq.s32 s7, s2  }
0x1e: {  	s7 =	smul.u32 @!p0 $0xF7A, s2;
	p2 =	seq.s32 @!p0 s5, $0x0  }
0x1f: {  	s9 =	smul.u32 $0xF7A, s1;
	s8 =	simm.s32 @!p0 $0x1BF5;
	p2 =	por !p2, p0  }
0x20: {  	[sflag:s8] =	ssyncset.s32 @!p0 $0xFFFFF086;
	s6 =	sadd.s32 @!p0 s3, s7;
	s7 =	simm.s32 @!p0 $0x108  }
0x21: {  	s3 =	sadd.s32 s3, s9;
	s6 =	sadd.s32 @!p0 $0x88, s6;
	s7 =	simm.s32 @p2 $0x1082  }
0x22: {  	[simem:s7], [sflag:s8] =	dma.local @!p0 [hbm:s6], $0xF7A  }
0x23: {  	s9 =	sor.u32 $0xD0000000, s2;
	s6 =	simm.s32 $0x108;
	_ =	swait.ge @!p0 [sflag:s8], $0x0  }
0x24: {  	s3 =	sadd.s32 $0x88, s3;
	s6 =	simm.s32 @!p1 $0x1082;
	[sflag:s4] =	ssyncset.s32 $0xFFFFF086  }
0x25: {  	[simem:s6], [sflag:s4] =	dma.local [hbm:s3], $0xF7A  }
0x26: {  	[smem:$0x3F90] =	sst s1;
	(tag) =	ssettag s2;
	_ =	strace s9  }
0x27: {  	s1 =	sld [smem:$0x3FA0]  }
0x28: {  	s2 =	sld [smem:$0x3FA1]  }
0x29: {  	s4 =	sld [smem:$0x3FA3]  }
0x2a: {  	p0 =	seq.s32 s5, $0x0;
	s5 =	sld [smem:$0x3FA4]  }
0x2b: {  	s6 =	sld [smem:$0x3FA5]  }
0x2c: {  	s7 =	sld [smem:$0x3FA6]  }
0x2d: {  	s3 =	simm.s32 $0x108;
	s8 =	sld [smem:$0x3FA7]  }
0x2e: {  	s3 =	simm.s32 @!p0 $0x1082;
	s9 =	sld [smem:$0x3FA8]  }
0x2f: {  	lr =	sadd.s32 s0, s3;
	s0 =	sld [smem:$0x3F9F]  }
0x30: {  	s3 =	sld [smem:$0x3FA2]  }
0x31: {  	[smem:$0x3FAB] =	sst s10  }
0x32: {  	s10 =	sld [smem:$0x3FA9];
	_ =	sdelay $0x3  }
0x33: {  	p0 =	seq.s32 s10, $0x1;
	s10 =	sld [smem:$0x3FAB];
	_ =	sdelay $0x3  }
0x34: {  	[smem:$0x3FAB] =	sst s10  }
0x35: {  	s10 =	sld [smem:$0x3FAA];
	_ =	sdelay $0x3  }
0x36: {  	p1 =	seq.s32 s10, $0x1;
	s10 =	sld [smem:$0x3FAB];
	_ =	sdelay $0x3  }
0x37: {  	[smem:$0x3FAB] =	sst s10  }
0x38: {  	s10 =	sld [smem:$0x3FAC]  }
0x39: {  	_ = 	snop;
	(pc) =	sbr.ind lr, $3  }
0x3a: {  	_ = 	snop  }
0x3b: {  	_ = 	snop  }
0x3c: {  	p2 =	seq.s32 s10, $0x1;
	s10 =	sld [smem:$0x3FAB]  }
0x3d: {  	_ =	shalt  }
0x3e: {  	_ =	shalt  }
0x3f: {  	_ =	shalt  }
0x40: {  	_ =	shalt  }
0x41: {  	_ =	shalt  }
0x42: {  	_ =	shalt  }
0x43: {  	_ =	shalt  }
0x44: {  	_ =	shalt  }
0x45: {  	_ =	shalt  }
0x46: {  	_ =	shalt  }
0x47: {  	_ =	shalt  }
0x48: {  	_ =	shalt  }
0x49: {  	_ =	shalt  }
0x4a: {  	_ =	shalt  }
0x4b: {  	_ =	shalt  }
0x4c: {  	_ =	shalt  }
0x4d: {  	_ =	shalt  }
0x4e: {  	_ =	shalt  }
0x4f: {  	_ =	shalt  }
0x50: {  	_ =	shalt  }
0x51: {  	_ =	shalt  }
0x52: {  	_ =	shalt  }
0x53: {  	_ =	shalt  }
0x54: {  	_ =	shalt  }
0x55: {  	_ =	shalt  }
0x56: {  	_ =	shalt  }
0x57: {  	_ =	shalt  }
0x58: {  	_ =	shalt  }
0x59: {  	_ =	shalt  }
0x5a: {  	_ =	shalt  }
0x5b: {  	_ =	shalt  }
0x5c: {  	_ =	shalt  }
0x5d: {  	_ =	shalt  }
0x5e: {  	_ =	shalt  }
0x5f: {  	_ =	shalt  }
0x60: {  	_ =	shalt  }
0x61: {  	_ =	shalt  }
0x62: {  	_ =	shalt  }
0x63: {  	_ =	shalt  }
0x64: {  	_ =	shalt  }
0x65: {  	_ =	shalt  }
0x66: {  	_ =	shalt  }
0x67: {  	_ =	shalt  }
0x68: {  	_ =	shalt  }
0x69: {  	_ =	shalt  }
0x6a: {  	_ =	shalt  }
0x6b: {  	_ =	shalt  }
0x6c: {  	_ =	shalt  }
0x6d: {  	_ =	shalt  }
0x6e: {  	_ =	shalt  }
0x6f: {  	_ =	shalt  }
0x70: {  	_ =	shalt  }
0x71: {  	_ =	shalt  }
0x72: {  	_ =	shalt  }
0x73: {  	_ =	shalt  }
0x74: {  	_ =	shalt  }
0x75: {  	_ =	shalt  }
0x76: {  	_ =	shalt  }
0x77: {  	_ =	shalt  }
0x78: {  	_ =	shalt  }
0x79: {  	_ =	shalt  }
0x7a: {  	_ =	shalt  }
0x7b: {  	_ =	shalt  }
0x7c: {  	_ =	shalt  }
0x7d: {  	_ =	shalt  }
0x7e: {  	_ =	shalt  }
0x7f: {  	_ =	shalt  }
0x80: {  	_ =	shalt  }
0x81: {  	_ =	shalt  }
0x82: {  	_ =	shalt  }
0x83: {  	_ =	shalt  }
0x84: {  	_ =	shalt  }
0x85: {  	_ =	shalt  }
0x86: {  	_ =	shalt  }
0x87: {  	_ =	shalt  }
.Lfunc_end0:
.L_simem_size_0:
called_computation.2_lowered:
.L_overlay_start_0:
0x88: {  	s2 =	sld [smem:$0x3FD9]  }
0x89: {  	s3 =	sld [smem:$0x3FFE];
	_ =	sdelay $0x1  }
0x8a: {  	s1 =	srdreg.scid  }
0x8b: {  	s0 =	sand.u32 $0x1, s1  }
0x8c: {  	s16 =	sshll.u32 s0, $0xA;
	s2 =	sadd.s32 s3, s2  }
0x8d: {  	s2 =	sadd.s32 s2, s16  }
0x8e: {  	[smem:$0x3FB7] =	sst s2  }
0x8f: {  	_ = 	snop  }
0x90: {  	(tm) =	ssettm $0x1  }
0x91: {  	s17 =	sld [smem:$0x3FFB];
	_ =	sdelay $0x3  }
0x92: {  	_ =	strace s17  }
0x93: {  	s2 =	sld [smem:$0x3FFC];
	_ =	sdelay $0x3  }
0x94: {  	_ =	strace s2  }
0x95: {  	s2 =	sld [smem:$0x3FFD];
	_ =	sdelay $0x3  }
0x96: {  	_ =	strace s2  }
0x97: {  	_ =	strace $0x8FFFFFFF  }
0x98: {  	s18 =	sld [smem:$0x3FDB];
	_ =	sdelay $0x1  }
0x99: {  	s19 =	simm.s32 $_scs_section_size  }
0x9a: {  	s4 =	simm.s32 $_size__tile_overlayer_lowered;
	s5 =	simm.s32 $_tile_overlayer_lowered  }
0x9b: {  	s22 =	simm.s32 $0x1BFF;
	s21 =	sshll.u32 s5, $0x1;
	s2 =	sadd.s32 s19, s18  }
0x9c: {  	s6 =	simm.s32 $0x0;
	s20 =	sshll.u32 s4, $0x1;
	s4 =	sadd.s32 s21, s2  }
0x9d: {  	[timem:s6], [sflag:s22] =	dma.local [hbm:s4], s20  }
0x9e: {  	_ =	swait.ge [sflag:s22], s20  }
0x9f: {  	s3 =	ssub.s32 $0x0, s20;
	[sflag:s22] =	ssyncset.done $0x0  }
0xa0: {  	[sflag:s22] =	ssyncadd.s32 s3;
	_ =	sdelay $0x1  }
0xa1: {  	s23 =	simm.s32 $0x1B8B  }
0xa2: {  	_ =	swait.ge [sflag:s23], $0x1  }
0xa3: {  	[sflag:s23] =	ssyncset.done $0x0  }
0xa4: {  	s25 =	simm.s32 $0x1B8E;
	s24 =	sld [smem:$0x3FFE];
	[sflag:s23] =	ssyncadd.s32 $0xFFFFFFFF  }
0xa5: {  	s26 =	simm.s32 $execute0_lowered;
	[smem:$0x3FD2] =	sst s25  }
0xa6: {  	s4 =	sshll.u32 s26, $0x1;
	_ =	strace $0x8000004C;
	[dreg:$0x1] =	wrdreg $0xFFFFFFFF  }
0xa7: {  	s28 =	simm.s32 $_size_execute0_lowered;
	s2 =	sadd.s32 s2, s4;
	[dreg:$0x0] =	wrdreg $0x0  }
0xa8: {  	s4 =	sshll.u32 s28, $0x1;
	[dreg:$0x2] =	wrdreg s2  }
0xa9: {  	[dreg:$0x3] =	wrdreg s4  }
0xaa: {  	[dreg:$0x4] =	wrdreg $0xC0  }
0xab: {  	_ =	task [dreg:s6], $0x5FFFF  }
0xac: {  	[dreg:$0x1] =	wrdreg $0xFFFFFFFF  }
0xad: {  	[dreg:$0x0] =	wrdreg $0x60  }
0xae: {  	[dreg:$0x2] =	wrdreg s24  }
0xaf: {  	[dreg:$0x3] =	wrdreg $0x81000  }
0xb0: {  	[dreg:$0x4] =	wrdreg $0x9  }
0xb1: {  	_ =	task.clear_ibuf [dreg:s6], $0x5FFFF;
	_ =	strace $0x9000004C  }
0xb2: {  	s29 =	simm.s32 $0x9;
	_ =	strace $0x8000004E  }
0xb3: {  	_ =	swait.ge [sflag:s29], $0x1  }
0xb4: {  	[sflag:s29] =	ssyncadd.s32 $0xFFFFFFFF  }
0xb5: {  	_ =	strace $0x9000004E  }
0xb6: {  	_ =	sfence  }
0xb7: {  	s30 =	sld [smem:$0x0];
	_ =	sdelay $0x2  }
0xb8: {  	s31 =	sshll.u32 s1, $0xD;
	s1 =	sshrl.u32 s1, $0x2  }
0xb9: {  	s3 =	sand.u32 $0x4000, s31;
	s1 =	sadd.s32 s1, s30  }
0xba: {  	s0 =	sor.u32 s3, s0;
	s1 =	sshll.u32 s1, $0x11  }
0xbb: {  	s0 =	sor.u32 s1, s0  }
0xbc: {  	s0 =	sadd.s32 $0x8F2B, s0  }
0xbd: {  	[sflag:s0] =	ssyncadd.remote.s32 $0x1  }
0xbe: {  	_ =	sfence.sel $0xFFFF  }
0xbf: {  	[dreg:$0x0] =	wrdreg $0xFFFFFFFF;
	(pc) =	sbr.abs _section_cstart, $3  }
0xc0: {  	[dreg:$0x1] =	wrdreg $0xFFFFFFFF  }
0xc1: {  	_ =	task.clear_ibuf [dreg:s6], $0x2FFFF;
	_ =	strace $0x9FFFFFFF  }
0xc2: {  	(tm) =	ssettm $0x7FFFFFFF  }
0xc3: {  	_ =	shalt  }
tec
execute0_lowered:
.L_overlay_start_1:
0x0: {  	(tag) =	ssettag $0x1  }
0x1: {  	s5 =	rddreg [dreg:$0x0];
	s0 =	srdreg.scid  }
0x2: {  	s2 =	rddreg [dreg:$0x1];
	s1 =	stileid.u32;
	s3 =	simm.s32 $0x0  }
0x3: {  	s14 =	simm.s32 $0x2;
	s15 =	simm.s32 $0x80;
	s7 =	smul.u32 $0x14000, s1  }
0x4: {  	s16 =	simm.s32 $0x100;
	s17 =	simm.s32 $0x1;
	s9 =	smul.u32 $0x50000, s1  }
0x5: {  	s6 =	sand.u32 $0x1, s0;
	s0 =	rddreg [dreg:$0x2];
	s12 =	smul.u32 $0x9E0, s1  }
0x6: {  	s20 =	simm.s32 $0x0;
	[smem:$0x7FF] =	sst s3;
	s4 =	smul.u32 $0x140000, s6  }
0x7: {  	s18 =	sshll.u32 s1, $0x6;
	s8 =	smul.u32 $0x9E00, s6;
	_ =	strace $0x8000004D  }
0x8: {  	s6 =	ssub.s32 $0x2, s6;
	s18 =	sor.u32 $0x1C02, s18;
	s30 =	sshrl.u32 s9, $0x2  }
0x9: {  	s31 =	sshrl.u32 s6, $0x1;
	s7 =	sadd.s32 s7, s4;
	s4 =	sadd.s32 $0x18600, s5  }
0xa: {  	s10 =	sadd.s32 s8, s5;
	s13 =	ssub.s32 s6, s31;
	s7 =	sshrl.u32 s7, $0x3  }
0xb: {  	s12 =	sadd.s32 s12, s10;
	s11 =	sadd.s32 s7, s5;
	s5 =	sadd.s32 s30, s2  }
0xc: {  	s12 =	sadd.s32 $0x4A00, s12;
	s6 =	sadd.s32 $0x4000, s5;
	s7 =	sadd.s32 $0x8000, s5  }
0xd: {  	s8 =	sadd.s32 $0xC000, s5;
	s9 =	sadd.s32 $0x10000, s5;
	s10 =	sadd.s32 $0x3F800, s11  }
0xe: {  	v0 =	vimm.f32 $0.0e+00;
	s11 =	smax.u32 s13, $0x1;
	s13 =	simm.s32 $0x4100;
	s19 =	sshrl.u32 s5, $0x3  }
.LBB2_1:
0xf: {  	s21 =	simm.s32 $0x0;
	s22 =	simm.s32 $0x200  }
.LBB2_2:
0x10: {  	p0 =	sne.s32 s22, $0xFE00;
	[tilespmem:s21+$0x4170] =	vst v0  }
0x11: {  	[tilespmem:s21+$0x4100] =	vst v0  }
0x12: {  	[tilespmem:s21+$0x4110] =	vst v0  }
.Ltmp0:
0x13: {  	[tilespmem:s21+$0x4120] =	vst v0;
	(pc) =	sbr.rel @p0 .LBB2_2-.Ltmp0, $4  }
0x14: {  	[tilespmem:s21+$0x4130] =	vst v0  }
0x15: {  	[tilespmem:s21+$0x4140] =	vst v0  }
0x16: {  	[tilespmem:s21+$0x4150] =	vst v0  }
0x17: {  	[tilespmem:s21+$0x4160] =	vst v0;
	s21 =	sshra.s32 s22, $0x2;
	s22 =	sadd.s32 $0x200, s22  }
0x18: {  	[tilespmem:s21+$0x4170] =	vst v0  }
0x19: {  	[tilespmem:s21+$0x4100] =	vst v0  }
0x1a: {  	[tilespmem:s21+$0x4110] =	vst v0  }
0x1b: {  	[tilespmem:s21+$0x4120] =	vst v0  }
0x1c: {  	[tilespmem:s21+$0x4130] =	vst v0  }
0x1d: {  	[tilespmem:s21+$0x4140] =	vst v0  }
0x1e: {  	[tilespmem:s21+$0x4150] =	vst v0  }
0x1f: {  	[tilespmem:s21+$0x4160] =	vst v0  }
0x20: {  	[spmem:s5] =	stream.linear.scatter [tilespmem:s13], [sflag:$0x2], $0x4000, $0x38;
	[tilespmem:$0x1C100] =	vst v63  }
0x21: {  	_ =	swait.ge [sflag:s14], $0x4000  }
0x22: {  	[sflag:s14] =	ssyncset.done $0x0  }
0x23: {  	[sflag:s14] =	ssyncadd.s32 $0xFFFFC000  }
0x24: {  	[spmem:s6] =	stream.linear.scatter [tilespmem:s13], [sflag:$0x2], $0x4000, $0x38;
	[tilespmem:$0x1C100] =	vst v63  }
0x25: {  	_ =	swait.ge [sflag:s14], $0x4000  }
0x26: {  	[sflag:s14] =	ssyncset.done $0x0  }
0x27: {  	[sflag:s14] =	ssyncadd.s32 $0xFFFFC000  }
0x28: {  	[spmem:s7] =	stream.linear.scatter [tilespmem:s13], [sflag:$0x2], $0x4000, $0x38;
	[tilespmem:$0x1C100] =	vst v63  }
0x29: {  	_ =	swait.ge [sflag:s14], $0x4000  }
0x2a: {  	[sflag:s14] =	ssyncset.done $0x0  }
0x2b: {  	[sflag:s14] =	ssyncadd.s32 $0xFFFFC000  }
0x2c: {  	[spmem:s8] =	stream.linear.scatter [tilespmem:s13], [sflag:$0x2], $0x4000, $0x38;
	[tilespmem:$0x1C100] =	vst v63  }
0x2d: {  	_ =	swait.ge [sflag:s14], $0x4000  }
0x2e: {  	[sflag:s14] =	ssyncset.done $0x0  }
0x2f: {  	[sflag:s14] =	ssyncadd.s32 $0xFFFFC000  }
0x30: {  	[spmem:s9] =	stream.linear.scatter [tilespmem:s13], [sflag:$0x2], $0x4000, $0x38;
	[tilespmem:$0x1C100] =	vst v63  }
0x31: {  	_ =	swait.ge [sflag:s14], $0x4000  }
0x32: {  	[sflag:s14] =	ssyncset.done $0x0  }
0x33: {  	[sflag:s14] =	ssyncadd.s32 $0xFFFFC000  }
0x34: {  	s31 =	sadd.s32 $0x0, s12;
	[bflag:$0x0] =	sbarrier.arrive $0xFFFF  }
0x35: {  	[tilespmem:s3], [sflag:$0x2] =	stream.linear.gather [hbm4b:s31+s3], $0x80, $0x38;
	[tilespmem:$0x1C100] =	vst v63  }
0x36: {  	_ =	swait.ge [sflag:s14], $0x80  }
0x37: {  	[sflag:s14] =	ssyncset.done $0x0  }
0x38: {  	s21 =	sadd.s32 $0x10, s31;
	[sflag:s14] =	ssyncadd.s32 $0xFFFFFF80  }
0x39: {  	[tilespmem:s15], [sflag:$0x2] =	stream.linear.gather [hbm4b:s21+s3], $0x80, $0x38;
	[tilespmem:$0x1C100] =	vst v63  }
0x3a: {  	_ =	swait.ge [sflag:s14], $0x80  }
0x3b: {  	[sflag:s14] =	ssyncset.done $0x0  }
0x3c: {  	[sflag:s14] =	ssyncadd.s32 $0xFFFFFF80  }
0x3d: {  	[tilespmem:s16], [sflag:$0x1] =	stream.indirect.gather [hbm4b:s4+s15], $0x80, s3, s15, $0xb8;
	[tilespmem:$0x1C100] =	vst v63  }
0x3e: {  	_ =	swait.ge [sflag:s17], $0x4000  }
0x3f: {  	[sflag:s17] =	ssyncset.done $0x0  }
0x40: {  	[sflag:s17] =	ssyncadd.s32 $0xFFFFC000  }
0x41: {  	[spmem:s2] =	stream.indirect.scatter.add.f32 [tilespmem:s16], [sflag:$0x2], $0x80, s15, s15, $0xb8;
	[tilespmem:$0x1C100] =	vst v63  }
0x42: {  	_ =	swait.ge [sflag:s14], $0x4000  }
0x43: {  	s22 =	simm.s32 $0x40;
	s21 =	simm.s32 $0x20;
	[sflag:s14] =	ssyncset.done $0x0  }
.LBB2_4:
0x44: {  	s23 =	sadd.s32 s21, s12  }
0x45: {  	[sflag:s14] =	ssyncadd.s32 $0xFFFFC000;
	s21 =	smov.u32 s22;
	s24 =	sadd.s32 $0x20, s22  }
0x46: {  	[tilespmem:s3], [sflag:$0x2] =	stream.linear.gather [hbm4b:s23+s3], $0x80, $0x38;
	[tilespmem:$0x1C100] =	vst v63  }
0x47: {  	p0 =	sne.s32 s22, $0x9C0;
	_ =	swait.ge [sflag:s14], $0x80  }
0x48: {  	[sflag:s14] =	ssyncset.done $0x0  }
0x49: {  	s22 =	sadd.s32 $0x10, s23;
	[sflag:s14] =	ssyncadd.s32 $0xFFFFFF80  }
0x4a: {  	[tilespmem:s15], [sflag:$0x2] =	stream.linear.gather [hbm4b:s22+s3], $0x80, $0x38;
	[tilespmem:$0x1C100] =	vst v63  }
0x4b: {  	_ =	swait.ge [sflag:s14], $0x80  }
0x4c: {  	[sflag:s14] =	ssyncset.done $0x0  }
0x4d: {  	[sflag:s14] =	ssyncadd.s32 $0xFFFFFF80  }
0x4e: {  	[tilespmem:s16], [sflag:$0x1] =	stream.indirect.gather [hbm4b:s4+s15], $0x80, s3, s15, $0xb8;
	[tilespmem:$0x1C100] =	vst v63  }
0x4f: {  	_ =	swait.ge [sflag:s17], $0x4000  }
.Ltmp1:
0x50: {  	[sflag:s17] =	ssyncset.done $0x0;
	(pc) =	sbr.rel @p0 .LBB2_4-.Ltmp1, $4  }
0x51: {  	[sflag:s17] =	ssyncadd.s32 $0xFFFFC000  }
0x52: {  	[spmem:s2] =	stream.indirect.scatter.add.f32 [tilespmem:s16], [sflag:$0x2], $0x80, s15, s15, $0xb8;
	[tilespmem:$0x1C100] =	vst v63  }
0x53: {  	_ =	swait.ge [sflag:s14], $0x4000  }
0x54: {  	s22 =	smov.u32 s24;
	[sflag:s14] =	ssyncset.done $0x0  }
0x55: {  	s21 =	sadd.s32 s21, s12;
	[sflag:s14] =	ssyncadd.s32 $0xFFFFC000  }
0x56: {  	[tilespmem:s3], [sflag:$0x2] =	stream.linear.gather [hbm4b:s21+s3], $0x80, $0x38;
	[tilespmem:$0x1C100] =	vst v63  }
0x57: {  	_ =	swait.ge [sflag:s14], $0x80  }
0x58: {  	[sflag:s14] =	ssyncset.done $0x0  }
0x59: {  	s21 =	sadd.s32 $0x10, s21;
	[sflag:s14] =	ssyncadd.s32 $0xFFFFFF80  }
0x5a: {  	[tilespmem:s15], [sflag:$0x2] =	stream.linear.gather [hbm4b:s21+s3], $0x80, $0x38;
	[tilespmem:$0x1C100] =	vst v63  }
0x5b: {  	_ =	swait.ge [sflag:s14], $0x80  }
0x5c: {  	[sflag:s14] =	ssyncset.done $0x0  }
0x5d: {  	[sflag:s14] =	ssyncadd.s32 $0xFFFFFF80  }
0x5e: {  	[tilespmem:s16], [sflag:$0x1] =	stream.indirect.gather [hbm4b:s4+s15], $0x80, s3, s15, $0xb8;
	[tilespmem:$0x1C100] =	vst v63  }
0x5f: {  	_ =	swait.ge [sflag:s17], $0x4000  }
0x60: {  	[sflag:s17] =	ssyncset.done $0x0  }
0x61: {  	[sflag:s17] =	ssyncadd.s32 $0xFFFFC000  }
0x62: {  	[spmem:s2] =	stream.indirect.scatter.add.f32 [tilespmem:s16], [sflag:$0x2], $0x80, s15, s15, $0xb8;
	[tilespmem:$0x1C100] =	vst v63  }
0x63: {  	_ =	swait.ge [sflag:s14], $0x4000  }
0x64: {  	s20 =	sadd.s32 $0x1, s20;
	[sflag:s14] =	ssyncset.done $0x0  }
0x65: {  	p0 =	sne.s32 s20, s11;
	[sflag:s14] =	ssyncadd.s32 $0xFFFFC000  }
.Ltmp2:
0x66: {  	[bflag:$0x0] =	sbarrier.arrive $0xFFFF;
	(pc) =	sbr.rel @p0 .LBB2_1-.Ltmp2, $4  }
0x67: {  	[hbm:s10], [sflag:s18] =	dma.local [spmem:s19], $0x2800  }
0x68: {  	_ =	swait.ge [sflag:s14], $0x2800  }
0x69: {  	[sflag:s14] =	ssyncset.done $0x0  }
0x6a: {  	[sflag:s14] =	ssyncadd.s32 $0xFFFFD800  }
0x6b: {  	_ =	sfence.sel $0x180000  }
0x6c: {  	[bflag:$0x0] =	sbarrier.arrive $0xFFFF  }
0x6d: {  	p0 =	sne.s32 s1, $0x0;
	_ =	strace $0x9000004D  }
0x6e: {  	s0 =	sadd.s32 @!p0 $0x100000, s0;
	[bflag:$0x2] =	sbarrier.arrive $0xFFFF  }
0x6f: {  	[sflag:s0] =	ssyncadd.tile.s32 @!p0 $0x1;
	_ =	shalt  }
.Lfunc_end2:
_tile_overlayer_lowered:
.L_overlay_start_2:
0x70: {  	(tag) =	ssettag $0x2  }
0x71: {  	s0 =	rddreg [dreg:$0x0];
	s2 =	stileid.u32  }
0x72: {  	s1 =	rddreg [dreg:$0x1];
	p0 =	sne.s32 s2, $0x0  }
0x73: {  	s3 =	rddreg [dreg:$0x2];
	[bflag:$0x3] =	sbarrier.arrive $0xFFFF;
	s2 =	simm.s32 @!p0 $0x1C02  }
0x74: {  	[timem:s3], [sflag:s2] =	dma.local @!p0 [hbm:s0], s1  }
0x75: {  	s0 =	simm.s32 @!p0 $0x2  }
0x76: {  	_ =	swait.ge @!p0 [sflag:s0], s1  }
0x77: {  	s1 =	ssub.s32 @!p0 $0x0, s1;
	[sflag:s0] =	ssyncset.done @!p0 $0x0  }
0x78: {  	[sflag:s0] =	ssyncadd.s32 @!p0 s1  }
0x79: {  	[bflag:$0x3] =	sbarrier.arrive $0xFFFF  }
0x7a: {  	_ =	shalt  }

</sc_bundles>
